<compile_context>
chip_gen: v7x
topology: tpu7x:2x2x1
jax: 0.10.2.dev20260603
libtpu: 0.0.44.dev20260713+nightly
codegen_flags: <defaults>
</compile_context>

<pallas_src>
import functools

import jax
import jax.numpy as jnp
import numpy as np
from jax import lax
from jax.experimental import pallas as pl
from jax.experimental.pallas import tpu as pltpu
from jax.experimental.pallas import tpu_sc as plsc

_BOUNDS = [
    -3.0, -2.80645, -2.6129, -2.41935, -2.22581, -2.03226, -1.83871,
    -1.64516, -1.45161, -1.25806, -1.06452, -0.87097, -0.67742, -0.48387,
    -0.29032, -0.09677, 0.09677, 0.29032, 0.48387, 0.67742, 0.87097,
    1.06452, 1.25806, 1.45161, 1.64516, 1.83871, 2.03226, 2.22581,
    2.41935, 2.6129, 2.80645, 3.0,
]

N = 16777216
NC = 2
NS = 16
NW = NC * NS
PER_W = N // NW
CHUNK = 16384
NCH = PER_W // CHUNK
VECS = CHUNK // 16
SCALE = 31.0 / 6.0
EPS = 0.001
OFFSET = float(np.float32(15.5) + np.float32(EPS))

_TABLE = np.full(40, np.inf, dtype=np.float32)
_TABLE[:32] = np.asarray(_BOUNDS, dtype=np.float32)


def _body(tbl_hbm, x_hbm, out_hbm, tbl_v, in0, in1, out0, out1,
          s_in0, s_in1, s_out0, s_out1, s_tbl):
    cid = lax.axis_index("c")
    sid = lax.axis_index("s")
    wid = sid * NC + cid
    base = wid * PER_W

    tbl_copy = pltpu.make_async_copy(tbl_hbm, tbl_v, s_tbl)
    tbl_copy.start()

    in_bufs = (in0, in1)
    out_bufs = (out0, out1)
    in_sems = (s_in0, s_in1)
    out_sems = (s_out0, s_out1)

    def in_copy(g, b):
        return pltpu.make_async_copy(
            x_hbm.at[pl.ds(base + g * CHUNK, CHUNK)], in_bufs[b], in_sems[b])

    def out_copy(g, b):
        return pltpu.make_async_copy(
            out_bufs[b], out_hbm.at[pl.ds(base + g * CHUNK, CHUNK)],
            out_sems[b])

    def compute(b):
        src = in_bufs[b]
        dst = out_bufs[b]

        @plsc.parallel_loop(0, CHUNK, step=16, unroll=8)
        def vec(j):
            x = src[pl.ds(j, 16)]
            t = x * SCALE + OFFSET
            t = jnp.maximum(jnp.minimum(t, 32.5), 0.0)
            c = t.astype(jnp.int32)
            bnd = plsc.load_gather(tbl_v, [c])
            res = c + (x >= bnd).astype(jnp.int32)
            dst[pl.ds(j, 16)] = res

    in_copy(0, 0).start()
    in_copy(1, 1).start()
    tbl_copy.wait()
    in_copy(0, 0).wait()
    compute(0)
    out_copy(0, 0).start()
    in_copy(2, 0).start()
    in_copy(1, 1).wait()
    compute(1)
    out_copy(1, 1).start()

    def steady(gg, carry):
        g0 = gg * 2
        in_copy(g0 + 1, 1).start()
        in_copy(g0, 0).wait()
        out_copy(g0 - 2, 0).wait()
        compute(0)
        out_copy(g0, 0).start()
        in_copy(g0 + 2, 0).start()
        in_copy(g0 + 1, 1).wait()
        out_copy(g0 - 1, 1).wait()
        compute(1)
        out_copy(g0 + 1, 1).start()
        return carry

    lax.fori_loop(1, NCH // 2 - 1, steady, 0)

    in_copy(NCH - 1, 1).start()
    in_copy(NCH - 2, 0).wait()
    out_copy(NCH - 4, 0).wait()
    compute(0)
    out_copy(NCH - 2, 0).start()
    in_copy(NCH - 1, 1).wait()
    out_copy(NCH - 3, 1).wait()
    compute(1)
    out_copy(NCH - 1, 1).start()

    out_copy(NCH - 2, 0).wait()
    out_copy(NCH - 1, 1).wait()


@functools.cache
def _make_bucketize():
    return pl.kernel(
        _body,
        out_type=jax.ShapeDtypeStruct((N,), jnp.int32),
        mesh=plsc.VectorSubcoreMesh(core_axis_name="c", subcore_axis_name="s",
                                    num_cores=NC, num_subcores=NS),
        compiler_params=pltpu.CompilerParams(needs_layout_passes=False),
        scratch_types=[
            pltpu.VMEM((40,), jnp.float32),
            pltpu.VMEM((CHUNK,), jnp.float32),
            pltpu.VMEM((CHUNK,), jnp.float32),
            pltpu.VMEM((CHUNK,), jnp.int32),
            pltpu.VMEM((CHUNK,), jnp.int32),
            pltpu.SemaphoreType.DMA,
            pltpu.SemaphoreType.DMA,
            pltpu.SemaphoreType.DMA,
            pltpu.SemaphoreType.DMA,
            pltpu.SemaphoreType.DMA,
        ],
    )


def kernel(inputs):
    tbl = jnp.asarray(_TABLE)
    return _make_bucketize()(tbl, inputs)

# --- scband reference (transcript-rebuilt; emitter-appended) ---
"""Pipeline reference for scband-numerica-bucket-id-layer-4389456576943 (READ-ONLY COPY).

The authoritative reference and input builder live on the scoring server;
editing this copy changes nothing except your own understanding.
"""

import jax, jax.numpy as jnp
import numpy as np

BOUNDARIES = jnp.asarray([-3.0, -2.80645, -2.6129, -2.41935, -2.22581, -2.03226, -1.83871, -1.64516, -1.45161, -1.25806, -1.06452, -0.87097, -0.67742, -0.48387, -0.29032, -0.09677, 0.09677, 0.29032, 0.48387, 0.67742, 0.87097, 1.06452, 1.25806, 1.45161, 1.64516, 1.83871, 2.03226, 2.22581, 2.41935, 2.6129, 2.80645, 3.0], dtype=jnp.float32)

def setup_inputs(seed: int = 0) -> dict:
    key = jax.random.key(seed)
    inputs = jax.random.normal(key, (16777216,), dtype=jnp.float32)
    return {"inputs": inputs}

def reference(inputs) -> jnp.ndarray:
    # tf.raw_ops.Bucketize: bucket id = number of boundaries <= input
    # (i.e. searchsorted with side='right'). Output dtype is int32.
    ids = jnp.searchsorted(BOUNDARIES, inputs, side='right')
    return ids.astype(jnp.int32)

if __name__ == "__main__":
    import jax
    _d = setup_inputs()
    print(jax.jit(kernel)(*tuple(_d.values())))

</pallas_src>

<mosaic_0001>
#map = affine_map<(d0, d1) -> (0)>
module attributes {stable_mosaic.version = 14 : i64} {
  func.func @_body(%arg0: i32, %arg1: i32, %arg2: memref<40xf32, #tpu.memory_space<hbm>>, %arg3: memref<16777216xf32, #tpu.memory_space<hbm>>, %arg4: memref<16777216xi32, #tpu.memory_space<hbm>>, %arg5: memref<40xf32, #tpu.memory_space<vmem>>, %arg6: memref<16384xf32, #tpu.memory_space<vmem>>, %arg7: memref<16384xf32, #tpu.memory_space<vmem>>, %arg8: memref<16384xi32, #tpu.memory_space<vmem>>, %arg9: memref<16384xi32, #tpu.memory_space<vmem>>, %arg10: memref<!tpu.dma_semaphore, #tpu.memory_space<semaphore_mem>>, %arg11: memref<!tpu.dma_semaphore, #tpu.memory_space<semaphore_mem>>, %arg12: memref<!tpu.dma_semaphore, #tpu.memory_space<semaphore_mem>>, %arg13: memref<!tpu.dma_semaphore, #tpu.memory_space<semaphore_mem>>, %arg14: memref<!tpu.dma_semaphore, #tpu.memory_space<semaphore_mem>>) attributes {dimension_semantics = [#tpu.dimension_semantics<core_parallel>, #tpu.dimension_semantics<subcore_parallel>], iteration_bounds = array<i64: 2, 16>, scalar_prefetch = 0 : i64, scratch_operands = 10 : i64, tpu.core_type = #tpu.core_type<sc_vector_subcore>, window_params = [{transform_indices = #map}, {transform_indices = #map}, {transform_indices = #map}]} {
    %mul3A = arith.constant 2 : i32
    %mul3A_0 = arith.muli %arg1, %mul3A : i32
    %add3A = arith.addi %mul3A_0, %arg0 : i32
    %mul3A_1 = arith.constant 524288 : i32
    %mul3A_2 = arith.muli %add3A, %mul3A_1 : i32
    tpu.enqueue_dma source(%arg2 : memref<40xf32, #tpu.memory_space<hbm>>) target(%arg5 : memref<40xf32, #tpu.memory_space<vmem>>) target_semaphore(%arg14 : memref<!tpu.dma_semaphore, #tpu.memory_space<semaphore_mem>>)
    %add3A_3 = arith.constant 0 : i32
    %add3A_4 = arith.addi %mul3A_2, %add3A_3 : i32
    %dma_start3A = tpu.memref_slice %arg3[%add3A_4] : memref<16777216xf32, #tpu.memory_space<hbm>> -> memref<16384xf32, #tpu.memory_space<hbm>>
    %dma_start3A_5 = tpu.memref_slice %arg3[%add3A_4] : memref<16777216xf32, #tpu.memory_space<hbm>> -> memref<16384xf32, #tpu.memory_space<hbm>>
    tpu.enqueue_dma source(%dma_start3A_5 : memref<16384xf32, #tpu.memory_space<hbm>>) target(%arg6 : memref<16384xf32, #tpu.memory_space<vmem>>) target_semaphore(%arg10 : memref<!tpu.dma_semaphore, #tpu.memory_space<semaphore_mem>>)
    %add3A_6 = arith.constant 16384 : i32
    %add3A_7 = arith.addi %mul3A_2, %add3A_6 : i32
    %dma_start3A_8 = tpu.memref_slice %arg3[%add3A_7] : memref<16777216xf32, #tpu.memory_space<hbm>> -> memref<16384xf32, #tpu.memory_space<hbm>>
    %dma_start3A_9 = tpu.memref_slice %arg3[%add3A_7] : memref<16777216xf32, #tpu.memory_space<hbm>> -> memref<16384xf32, #tpu.memory_space<hbm>>
    tpu.enqueue_dma source(%dma_start3A_9 : memref<16384xf32, #tpu.memory_space<hbm>>) target(%arg7 : memref<16384xf32, #tpu.memory_space<vmem>>) target_semaphore(%arg11 : memref<!tpu.dma_semaphore, #tpu.memory_space<semaphore_mem>>)
    tpu.wait_dma2 semaphore(%arg14 : memref<!tpu.dma_semaphore, #tpu.memory_space<semaphore_mem>>) src(%arg2 : memref<40xf32, #tpu.memory_space<hbm>>) dst(%arg5 : memref<40xf32, #tpu.memory_space<vmem>>)
    %add3A_10 = arith.constant 0 : i32
    %add3A_11 = arith.addi %mul3A_2, %add3A_10 : i32
    %dma_wait3A = tpu.memref_slice %arg3[%add3A_11] : memref<16777216xf32, #tpu.memory_space<hbm>> -> memref<16384xf32, #tpu.memory_space<hbm>>
    %dma_wait3A_12 = tpu.memref_slice %arg3[%add3A_11] : memref<16777216xf32, #tpu.memory_space<hbm>> -> memref<16384xf32, #tpu.memory_space<hbm>>
    tpu.wait_dma2 semaphore(%arg10 : memref<!tpu.dma_semaphore, #tpu.memory_space<semaphore_mem>>) src(%dma_wait3A_12 : memref<16384xf32, #tpu.memory_space<hbm>>) dst(%arg6 : memref<16384xf32, #tpu.memory_space<vmem>>)
    %parallel_loop3A = arith.constant 0 : i32
    %parallel_loop3A_13 = arith.constant 16384 : i32
    %parallel_loop3A_14 = arith.constant 16 : i32
    scf.for %parallel_loop3A_81 = %parallel_loop3A to %parallel_loop3A_13 step %parallel_loop3A_14  : i32 {
      %parallel_loop3A_82 = arith.index_cast %parallel_loop3A_81 : i32 to index
      %parallel_loop3A_83 = tpu.vector_load %arg6[%parallel_loop3A_82] {strides = array<i32>} : memref<16384xf32, #tpu.memory_space<vmem>>, vector<16xf32>,
      %parallel_loop3A_84 = arith.constant 5.16666651 : f32
      %parallel_loop3A_85 = vector.broadcast %parallel_loop3A_84 : f32 to vector<16xf32>
      %parallel_loop3A_86 = arith.mulf %parallel_loop3A_83, %parallel_loop3A_85 : vector<16xf32>
      %parallel_loop3A_87 = arith.constant 1.550100e+01 : f32
      %parallel_loop3A_88 = vector.broadcast %parallel_loop3A_87 : f32 to vector<16xf32>
      %parallel_loop3A_89 = arith.addf %parallel_loop3A_86, %parallel_loop3A_88 : vector<16xf32>
      %parallel_loop3A_90 = arith.constant 3.250000e+01 : f32
      %parallel_loop3A_91 = vector.broadcast %parallel_loop3A_90 : f32 to vector<16xf32>
      %parallel_loop3A_92 = arith.minimumf %parallel_loop3A_89, %parallel_loop3A_91 : vector<16xf32>
      %parallel_loop3A_93 = arith.constant 0.000000e+00 : f32
      %parallel_loop3A_94 = vector.broadcast %parallel_loop3A_93 : f32 to vector<16xf32>
      %parallel_loop3A_95 = arith.maximumf %parallel_loop3A_92, %parallel_loop3A_94 : vector<16xf32>
      %parallel_loop3A_96 = arith.fptosi %parallel_loop3A_95 : vector<16xf32> to vector<16xi32>
      %parallel_loop3A_97 = tpu.vector_load_idx %arg5[%parallel_loop3A_96] : memref<40xf32, #tpu.memory_space<vmem>>[vector<16xi32>], vector<16xf32>,
      %parallel_loop3A_98 = arith.cmpf oge, %parallel_loop3A_83, %parallel_loop3A_97 : vector<16xf32>
      %parallel_loop3A_99 = arith.extui %parallel_loop3A_98 : vector<16xi1> to vector<16xi32>
      %parallel_loop3A_100 = arith.addi %parallel_loop3A_96, %parallel_loop3A_99 : vector<16xi32>
      %parallel_loop3A_101 = arith.index_cast %parallel_loop3A_81 : i32 to index
      %parallel_loop3A_102 = tpu.vector_load %arg8[%parallel_loop3A_101] {strides = array<i32>} : memref<16384xi32, #tpu.memory_space<vmem>>, vector<16xi32>,
      tpu.vector_store %arg8[%parallel_loop3A_101], %parallel_loop3A_100 {strides = array<i32>} : memref<16384xi32, #tpu.memory_space<vmem>>, vector<16xi32>,
    } {sc.loop_unroll_factor = 8 : i64, sc.parallel_access}
    %add3A_15 = arith.constant 0 : i32
    %add3A_16 = arith.addi %mul3A_2, %add3A_15 : i32
    %dma_start3A_17 = tpu.memref_slice %arg4[%add3A_16] : memref<16777216xi32, #tpu.memory_space<hbm>> -> memref<16384xi32, #tpu.memory_space<hbm>>
    %dma_start3A_18 = tpu.memref_slice %arg4[%add3A_16] : memref<16777216xi32, #tpu.memory_space<hbm>> -> memref<16384xi32, #tpu.memory_space<hbm>>
    tpu.enqueue_dma source(%arg8 : memref<16384xi32, #tpu.memory_space<vmem>>) target(%dma_start3A_18 : memref<16384xi32, #tpu.memory_space<hbm>>) target_semaphore(%arg12 : memref<!tpu.dma_semaphore, #tpu.memory_space<semaphore_mem>>)
    %add3A_19 = arith.constant 32768 : i32
    %add3A_20 = arith.addi %mul3A_2, %add3A_19 : i32
    %dma_start3A_21 = tpu.memref_slice %arg3[%add3A_20] : memref<16777216xf32, #tpu.memory_space<hbm>> -> memref<16384xf32, #tpu.memory_space<hbm>>
    %dma_start3A_22 = tpu.memref_slice %arg3[%add3A_20] : memref<16777216xf32, #tpu.memory_space<hbm>> -> memref<16384xf32, #tpu.memory_space<hbm>>
    tpu.enqueue_dma source(%dma_start3A_22 : memref<16384xf32, #tpu.memory_space<hbm>>) target(%arg6 : memref<16384xf32, #tpu.memory_space<vmem>>) target_semaphore(%arg10 : memref<!tpu.dma_semaphore, #tpu.memory_space<semaphore_mem>>)
    %add3A_23 = arith.constant 16384 : i32
    %add3A_24 = arith.addi %mul3A_2, %add3A_23 : i32
    %dma_wait3A_25 = tpu.memref_slice %arg3[%add3A_24] : memref<16777216xf32, #tpu.memory_space<hbm>> -> memref<16384xf32, #tpu.memory_space<hbm>>
    %dma_wait3A_26 = tpu.memref_slice %arg3[%add3A_24] : memref<16777216xf32, #tpu.memory_space<hbm>> -> memref<16384xf32, #tpu.memory_space<hbm>>
    tpu.wait_dma2 semaphore(%arg11 : memref<!tpu.dma_semaphore, #tpu.memory_space<semaphore_mem>>) src(%dma_wait3A_26 : memref<16384xf32, #tpu.memory_space<hbm>>) dst(%arg7 : memref<16384xf32, #tpu.memory_space<vmem>>)
    %parallel_loop3A_27 = arith.constant 0 : i32
    %parallel_loop3A_28 = arith.constant 16384 : i32
    %parallel_loop3A_29 = arith.constant 16 : i32
    scf.for %parallel_loop3A_81 = %parallel_loop3A_27 to %parallel_loop3A_28 step %parallel_loop3A_29  : i32 {
      %parallel_loop3A_82 = arith.index_cast %parallel_loop3A_81 : i32 to index
      %parallel_loop3A_83 = tpu.vector_load %arg7[%parallel_loop3A_82] {strides = array<i32>} : memref<16384xf32, #tpu.memory_space<vmem>>, vector<16xf32>,
      %parallel_loop3A_84 = arith.constant 5.16666651 : f32
      %parallel_loop3A_85 = vector.broadcast %parallel_loop3A_84 : f32 to vector<16xf32>
      %parallel_loop3A_86 = arith.mulf %parallel_loop3A_83, %parallel_loop3A_85 : vector<16xf32>
      %parallel_loop3A_87 = arith.constant 1.550100e+01 : f32
      %parallel_loop3A_88 = vector.broadcast %parallel_loop3A_87 : f32 to vector<16xf32>
      %parallel_loop3A_89 = arith.addf %parallel_loop3A_86, %parallel_loop3A_88 : vector<16xf32>
      %parallel_loop3A_90 = arith.constant 3.250000e+01 : f32
      %parallel_loop3A_91 = vector.broadcast %parallel_loop3A_90 : f32 to vector<16xf32>
      %parallel_loop3A_92 = arith.minimumf %parallel_loop3A_89, %parallel_loop3A_91 : vector<16xf32>
      %parallel_loop3A_93 = arith.constant 0.000000e+00 : f32
      %parallel_loop3A_94 = vector.broadcast %parallel_loop3A_93 : f32 to vector<16xf32>
      %parallel_loop3A_95 = arith.maximumf %parallel_loop3A_92, %parallel_loop3A_94 : vector<16xf32>
      %parallel_loop3A_96 = arith.fptosi %parallel_loop3A_95 : vector<16xf32> to vector<16xi32>
      %parallel_loop3A_97 = tpu.vector_load_idx %arg5[%parallel_loop3A_96] : memref<40xf32, #tpu.memory_space<vmem>>[vector<16xi32>], vector<16xf32>,
      %parallel_loop3A_98 = arith.cmpf oge, %parallel_loop3A_83, %parallel_loop3A_97 : vector<16xf32>
      %parallel_loop3A_99 = arith.extui %parallel_loop3A_98 : vector<16xi1> to vector<16xi32>
      %parallel_loop3A_100 = arith.addi %parallel_loop3A_96, %parallel_loop3A_99 : vector<16xi32>
      %parallel_loop3A_101 = arith.index_cast %parallel_loop3A_81 : i32 to index
      %parallel_loop3A_102 = tpu.vector_load %arg9[%parallel_loop3A_101] {strides = array<i32>} : memref<16384xi32, #tpu.memory_space<vmem>>, vector<16xi32>,
      tpu.vector_store %arg9[%parallel_loop3A_101], %parallel_loop3A_100 {strides = array<i32>} : memref<16384xi32, #tpu.memory_space<vmem>>, vector<16xi32>,
    } {sc.loop_unroll_factor = 8 : i64, sc.parallel_access}
    %add3A_30 = arith.constant 16384 : i32
    %add3A_31 = arith.addi %mul3A_2, %add3A_30 : i32
    %dma_start3A_32 = tpu.memref_slice %arg4[%add3A_31] : memref<16777216xi32, #tpu.memory_space<hbm>> -> memref<16384xi32, #tpu.memory_space<hbm>>
    %dma_start3A_33 = tpu.memref_slice %arg4[%add3A_31] : memref<16777216xi32, #tpu.memory_space<hbm>> -> memref<16384xi32, #tpu.memory_space<hbm>>
    tpu.enqueue_dma source(%arg9 : memref<16384xi32, #tpu.memory_space<vmem>>) target(%dma_start3A_33 : memref<16384xi32, #tpu.memory_space<hbm>>) target_semaphore(%arg13 : memref<!tpu.dma_semaphore, #tpu.memory_space<semaphore_mem>>)
    %scan3A = arith.constant 0 : i32
    %scan3A_34 = arith.constant 1 : i32
    %scan3A_35 = arith.constant 14 : i32
    %scan3A_36 = arith.addi %scan3A_34, %scan3A_35 : i32
    %scan3A_37 = arith.constant 1 : i32
    scf.for %scan3A_81 = %scan3A_34 to %scan3A_36 step %scan3A_37  : i32 {
      %mul3A_82 = arith.constant 2 : i32
      %mul3A_83 = arith.muli %scan3A_81, %mul3A_82 : i32
      %add3A_84 = arith.constant 1 : i32
      %add3A_85 = arith.addi %mul3A_83, %add3A_84 : i32
      %mul3A_86 = arith.constant 16384 : i32
      %mul3A_87 = arith.muli %add3A_85, %mul3A_86 : i32
      %add3A_88 = arith.addi %mul3A_2, %mul3A_87 : i32
      %dma_start3A_89 = tpu.memref_slice %arg3[%add3A_88] : memref<16777216xf32, #tpu.memory_space<hbm>> -> memref<16384xf32, #tpu.memory_space<hbm>>
      %dma_start3A_90 = tpu.memref_slice %arg3[%add3A_88] : memref<16777216xf32, #tpu.memory_space<hbm>> -> memref<16384xf32, #tpu.memory_space<hbm>>
      tpu.enqueue_dma source(%dma_start3A_90 : memref<16384xf32, #tpu.memory_space<hbm>>) target(%arg7 : memref<16384xf32, #tpu.memory_space<vmem>>) target_semaphore(%arg11 : memref<!tpu.dma_semaphore, #tpu.memory_space<semaphore_mem>>)
      %mul3A_91 = arith.constant 16384 : i32
      %mul3A_92 = arith.muli %mul3A_83, %mul3A_91 : i32
      %add3A_93 = arith.addi %mul3A_2, %mul3A_92 : i32
      %dma_wait3A_94 = tpu.memref_slice %arg3[%add3A_93] : memref<16777216xf32, #tpu.memory_space<hbm>> -> memref<16384xf32, #tpu.memory_space<hbm>>
      %dma_wait3A_95 = tpu.memref_slice %arg3[%add3A_93] : memref<16777216xf32, #tpu.memory_space<hbm>> -> memref<16384xf32, #tpu.memory_space<hbm>>
      tpu.wait_dma2 semaphore(%arg10 : memref<!tpu.dma_semaphore, #tpu.memory_space<semaphore_mem>>) src(%dma_wait3A_95 : memref<16384xf32, #tpu.memory_space<hbm>>) dst(%arg6 : memref<16384xf32, #tpu.memory_space<vmem>>)
      %sub3A = arith.constant 2 : i32
      %sub3A_96 = arith.subi %mul3A_83, %sub3A : i32
      %mul3A_97 = arith.constant 16384 : i32
      %mul3A_98 = arith.muli %sub3A_96, %mul3A_97 : i32
      %add3A_99 = arith.addi %mul3A_2, %mul3A_98 : i32
      %dma_wait3A_100 = tpu.memref_slice %arg4[%add3A_99] : memref<16777216xi32, #tpu.memory_space<hbm>> -> memref<16384xi32, #tpu.memory_space<hbm>>
      %dma_wait3A_101 = tpu.memref_slice %arg4[%add3A_99] : memref<16777216xi32, #tpu.memory_space<hbm>> -> memref<16384xi32, #tpu.memory_space<hbm>>
      tpu.wait_dma2 semaphore(%arg12 : memref<!tpu.dma_semaphore, #tpu.memory_space<semaphore_mem>>) src(%arg8 : memref<16384xi32, #tpu.memory_space<vmem>>) dst(%dma_wait3A_101 : memref<16384xi32, #tpu.memory_space<hbm>>)
      %parallel_loop3A_102 = arith.constant 0 : i32
      %parallel_loop3A_103 = arith.constant 16384 : i32
      %parallel_loop3A_104 = arith.constant 16 : i32
      scf.for %parallel_loop3A_141 = %parallel_loop3A_102 to %parallel_loop3A_103 step %parallel_loop3A_104  : i32 {
        %parallel_loop3A_142 = arith.index_cast %parallel_loop3A_141 : i32 to index
        %parallel_loop3A_143 = tpu.vector_load %arg6[%parallel_loop3A_142] {strides = array<i32>} : memref<16384xf32, #tpu.memory_space<vmem>>, vector<16xf32>,
        %parallel_loop3A_144 = arith.constant 5.16666651 : f32
        %parallel_loop3A_145 = vector.broadcast %parallel_loop3A_144 : f32 to vector<16xf32>
        %parallel_loop3A_146 = arith.mulf %parallel_loop3A_143, %parallel_loop3A_145 : vector<16xf32>
        %parallel_loop3A_147 = arith.constant 1.550100e+01 : f32
        %parallel_loop3A_148 = vector.broadcast %parallel_loop3A_147 : f32 to vector<16xf32>
        %parallel_loop3A_149 = arith.addf %parallel_loop3A_146, %parallel_loop3A_148 : vector<16xf32>
        %parallel_loop3A_150 = arith.constant 3.250000e+01 : f32
        %parallel_loop3A_151 = vector.broadcast %parallel_loop3A_150 : f32 to vector<16xf32>
        %parallel_loop3A_152 = arith.minimumf %parallel_loop3A_149, %parallel_loop3A_151 : vector<16xf32>
        %parallel_loop3A_153 = arith.constant 0.000000e+00 : f32
        %parallel_loop3A_154 = vector.broadcast %parallel_loop3A_153 : f32 to vector<16xf32>
        %parallel_loop3A_155 = arith.maximumf %parallel_loop3A_152, %parallel_loop3A_154 : vector<16xf32>
        %parallel_loop3A_156 = arith.fptosi %parallel_loop3A_155 : vector<16xf32> to vector<16xi32>
        %parallel_loop3A_157 = tpu.vector_load_idx %arg5[%parallel_loop3A_156] : memref<40xf32, #tpu.memory_space<vmem>>[vector<16xi32>], vector<16xf32>,
        %parallel_loop3A_158 = arith.cmpf oge, %parallel_loop3A_143, %parallel_loop3A_157 : vector<16xf32>
        %parallel_loop3A_159 = arith.extui %parallel_loop3A_158 : vector<16xi1> to vector<16xi32>
        %parallel_loop3A_160 = arith.addi %parallel_loop3A_156, %parallel_loop3A_159 : vector<16xi32>
        %parallel_loop3A_161 = arith.index_cast %parallel_loop3A_141 : i32 to index
        %parallel_loop3A_162 = tpu.vector_load %arg8[%parallel_loop3A_161] {strides = array<i32>} : memref<16384xi32, #tpu.memory_space<vmem>>, vector<16xi32>,
        tpu.vector_store %arg8[%parallel_loop3A_161], %parallel_loop3A_160 {strides = array<i32>} : memref<16384xi32, #tpu.memory_space<vmem>>, vector<16xi32>,
      } {sc.loop_unroll_factor = 8 : i64, sc.parallel_access}
      %mul3A_105 = arith.constant 16384 : i32
      %mul3A_106 = arith.muli %mul3A_83, %mul3A_105 : i32
      %add3A_107 = arith.addi %mul3A_2, %mul3A_106 : i32
      %dma_start3A_108 = tpu.memref_slice %arg4[%add3A_107] : memref<16777216xi32, #tpu.memory_space<hbm>> -> memref<16384xi32, #tpu.memory_space<hbm>>
      %dma_start3A_109 = tpu.memref_slice %arg4[%add3A_107] : memref<16777216xi32, #tpu.memory_space<hbm>> -> memref<16384xi32, #tpu.memory_space<hbm>>
      tpu.enqueue_dma source(%arg8 : memref<16384xi32, #tpu.memory_space<vmem>>) target(%dma_start3A_109 : memref<16384xi32, #tpu.memory_space<hbm>>) target_semaphore(%arg12 : memref<!tpu.dma_semaphore, #tpu.memory_space<semaphore_mem>>)
      %add3A_110 = arith.constant 2 : i32
      %add3A_111 = arith.addi %mul3A_83, %add3A_110 : i32
      %mul3A_112 = arith.constant 16384 : i32
      %mul3A_113 = arith.muli %add3A_111, %mul3A_112 : i32
      %add3A_114 = arith.addi %mul3A_2, %mul3A_113 : i32
      %dma_start3A_115 = tpu.memref_slice %arg3[%add3A_114] : memref<16777216xf32, #tpu.memory_space<hbm>> -> memref<16384xf32, #tpu.memory_space<hbm>>
      %dma_start3A_116 = tpu.memref_slice %arg3[%add3A_114] : memref<16777216xf32, #tpu.memory_space<hbm>> -> memref<16384xf32, #tpu.memory_space<hbm>>
      tpu.enqueue_dma source(%dma_start3A_116 : memref<16384xf32, #tpu.memory_space<hbm>>) target(%arg6 : memref<16384xf32, #tpu.memory_space<vmem>>) target_semaphore(%arg10 : memref<!tpu.dma_semaphore, #tpu.memory_space<semaphore_mem>>)
      %add3A_117 = arith.constant 1 : i32
      %add3A_118 = arith.addi %mul3A_83, %add3A_117 : i32
      %mul3A_119 = arith.constant 16384 : i32
      %mul3A_120 = arith.muli %add3A_118, %mul3A_119 : i32
      %add3A_121 = arith.addi %mul3A_2, %mul3A_120 : i32
      %dma_wait3A_122 = tpu.memref_slice %arg3[%add3A_121] : memref<16777216xf32, #tpu.memory_space<hbm>> -> memref<16384xf32, #tpu.memory_space<hbm>>
      %dma_wait3A_123 = tpu.memref_slice %arg3[%add3A_121] : memref<16777216xf32, #tpu.memory_space<hbm>> -> memref<16384xf32, #tpu.memory_space<hbm>>
      tpu.wait_dma2 semaphore(%arg11 : memref<!tpu.dma_semaphore, #tpu.memory_space<semaphore_mem>>) src(%dma_wait3A_123 : memref<16384xf32, #tpu.memory_space<hbm>>) dst(%arg7 : memref<16384xf32, #tpu.memory_space<vmem>>)
      %sub3A_124 = arith.constant 1 : i32
      %sub3A_125 = arith.subi %mul3A_83, %sub3A_124 : i32
      %mul3A_126 = arith.constant 16384 : i32
      %mul3A_127 = arith.muli %sub3A_125, %mul3A_126 : i32
      %add3A_128 = arith.addi %mul3A_2, %mul3A_127 : i32
      %dma_wait3A_129 = tpu.memref_slice %arg4[%add3A_128] : memref<16777216xi32, #tpu.memory_space<hbm>> -> memref<16384xi32, #tpu.memory_space<hbm>>
      %dma_wait3A_130 = tpu.memref_slice %arg4[%add3A_128] : memref<16777216xi32, #tpu.memory_space<hbm>> -> memref<16384xi32, #tpu.memory_space<hbm>>
      tpu.wait_dma2 semaphore(%arg13 : memref<!tpu.dma_semaphore, #tpu.memory_space<semaphore_mem>>) src(%arg9 : memref<16384xi32, #tpu.memory_space<vmem>>) dst(%dma_wait3A_130 : memref<16384xi32, #tpu.memory_space<hbm>>)
      %parallel_loop3A_131 = arith.constant 0 : i32
      %parallel_loop3A_132 = arith.constant 16384 : i32
      %parallel_loop3A_133 = arith.constant 16 : i32
      scf.for %parallel_loop3A_141 = %parallel_loop3A_131 to %parallel_loop3A_132 step %parallel_loop3A_133  : i32 {
        %parallel_loop3A_142 = arith.index_cast %parallel_loop3A_141 : i32 to index
        %parallel_loop3A_143 = tpu.vector_load %arg7[%parallel_loop3A_142] {strides = array<i32>} : memref<16384xf32, #tpu.memory_space<vmem>>, vector<16xf32>,
        %parallel_loop3A_144 = arith.constant 5.16666651 : f32
        %parallel_loop3A_145 = vector.broadcast %parallel_loop3A_144 : f32 to vector<16xf32>
        %parallel_loop3A_146 = arith.mulf %parallel_loop3A_143, %parallel_loop3A_145 : vector<16xf32>
        %parallel_loop3A_147 = arith.constant 1.550100e+01 : f32
        %parallel_loop3A_148 = vector.broadcast %parallel_loop3A_147 : f32 to vector<16xf32>
        %parallel_loop3A_149 = arith.addf %parallel_loop3A_146, %parallel_loop3A_148 : vector<16xf32>
        %parallel_loop3A_150 = arith.constant 3.250000e+01 : f32
        %parallel_loop3A_151 = vector.broadcast %parallel_loop3A_150 : f32 to vector<16xf32>
        %parallel_loop3A_152 = arith.minimumf %parallel_loop3A_149, %parallel_loop3A_151 : vector<16xf32>
        %parallel_loop3A_153 = arith.constant 0.000000e+00 : f32
        %parallel_loop3A_154 = vector.broadcast %parallel_loop3A_153 : f32 to vector<16xf32>
        %parallel_loop3A_155 = arith.maximumf %parallel_loop3A_152, %parallel_loop3A_154 : vector<16xf32>
        %parallel_loop3A_156 = arith.fptosi %parallel_loop3A_155 : vector<16xf32> to vector<16xi32>
        %parallel_loop3A_157 = tpu.vector_load_idx %arg5[%parallel_loop3A_156] : memref<40xf32, #tpu.memory_space<vmem>>[vector<16xi32>], vector<16xf32>,
        %parallel_loop3A_158 = arith.cmpf oge, %parallel_loop3A_143, %parallel_loop3A_157 : vector<16xf32>
        %parallel_loop3A_159 = arith.extui %parallel_loop3A_158 : vector<16xi1> to vector<16xi32>
        %parallel_loop3A_160 = arith.addi %parallel_loop3A_156, %parallel_loop3A_159 : vector<16xi32>
        %parallel_loop3A_161 = arith.index_cast %parallel_loop3A_141 : i32 to index
        %parallel_loop3A_162 = tpu.vector_load %arg9[%parallel_loop3A_161] {strides = array<i32>} : memref<16384xi32, #tpu.memory_space<vmem>>, vector<16xi32>,
        tpu.vector_store %arg9[%parallel_loop3A_161], %parallel_loop3A_160 {strides = array<i32>} : memref<16384xi32, #tpu.memory_space<vmem>>, vector<16xi32>,
      } {sc.loop_unroll_factor = 8 : i64, sc.parallel_access}
      %add3A_134 = arith.constant 1 : i32
      %add3A_135 = arith.addi %mul3A_83, %add3A_134 : i32
      %mul3A_136 = arith.constant 16384 : i32
      %mul3A_137 = arith.muli %add3A_135, %mul3A_136 : i32
      %add3A_138 = arith.addi %mul3A_2, %mul3A_137 : i32
      %dma_start3A_139 = tpu.memref_slice %arg4[%add3A_138] : memref<16777216xi32, #tpu.memory_space<hbm>> -> memref<16384xi32, #tpu.memory_space<hbm>>
      %dma_start3A_140 = tpu.memref_slice %arg4[%add3A_138] : memref<16777216xi32, #tpu.memory_space<hbm>> -> memref<16384xi32, #tpu.memory_space<hbm>>
      tpu.enqueue_dma source(%arg9 : memref<16384xi32, #tpu.memory_space<vmem>>) target(%dma_start3A_140 : memref<16384xi32, #tpu.memory_space<hbm>>) target_semaphore(%arg13 : memref<!tpu.dma_semaphore, #tpu.memory_space<semaphore_mem>>)
    }
    %scan3A_38 = arith.constant 14 : i32
    %add3A_39 = arith.constant 507904 : i32
    %add3A_40 = arith.addi %mul3A_2, %add3A_39 : i32
    %dma_start3A_41 = tpu.memref_slice %arg3[%add3A_40] : memref<16777216xf32, #tpu.memory_space<hbm>> -> memref<16384xf32, #tpu.memory_space<hbm>>
    %dma_start3A_42 = tpu.memref_slice %arg3[%add3A_40] : memref<16777216xf32, #tpu.memory_space<hbm>> -> memref<16384xf32, #tpu.memory_space<hbm>>
    tpu.enqueue_dma source(%dma_start3A_42 : memref<16384xf32, #tpu.memory_space<hbm>>) target(%arg7 : memref<16384xf32, #tpu.memory_space<vmem>>) target_semaphore(%arg11 : memref<!tpu.dma_semaphore, #tpu.memory_space<semaphore_mem>>)
    %add3A_43 = arith.constant 491520 : i32
    %add3A_44 = arith.addi %mul3A_2, %add3A_43 : i32
    %dma_wait3A_45 = tpu.memref_slice %arg3[%add3A_44] : memref<16777216xf32, #tpu.memory_space<hbm>> -> memref<16384xf32, #tpu.memory_space<hbm>>
    %dma_wait3A_46 = tpu.memref_slice %arg3[%add3A_44] : memref<16777216xf32, #tpu.memory_space<hbm>> -> memref<16384xf32, #tpu.memory_space<hbm>>
    tpu.wait_dma2 semaphore(%arg10 : memref<!tpu.dma_semaphore, #tpu.memory_space<semaphore_mem>>) src(%dma_wait3A_46 : memref<16384xf32, #tpu.memory_space<hbm>>) dst(%arg6 : memref<16384xf32, #tpu.memory_space<vmem>>)
    %add3A_47 = arith.constant 458752 : i32
    %add3A_48 = arith.addi %mul3A_2, %add3A_47 : i32
    %dma_wait3A_49 = tpu.memref_slice %arg4[%add3A_48] : memref<16777216xi32, #tpu.memory_space<hbm>> -> memref<16384xi32, #tpu.memory_space<hbm>>
    %dma_wait3A_50 = tpu.memref_slice %arg4[%add3A_48] : memref<16777216xi32, #tpu.memory_space<hbm>> -> memref<16384xi32, #tpu.memory_space<hbm>>
    tpu.wait_dma2 semaphore(%arg12 : memref<!tpu.dma_semaphore, #tpu.memory_space<semaphore_mem>>) src(%arg8 : memref<16384xi32, #tpu.memory_space<vmem>>) dst(%dma_wait3A_50 : memref<16384xi32, #tpu.memory_space<hbm>>)
    %parallel_loop3A_51 = arith.constant 0 : i32
    %parallel_loop3A_52 = arith.constant 16384 : i32
    %parallel_loop3A_53 = arith.constant 16 : i32
    scf.for %parallel_loop3A_81 = %parallel_loop3A_51 to %parallel_loop3A_52 step %parallel_loop3A_53  : i32 {
      %parallel_loop3A_82 = arith.index_cast %parallel_loop3A_81 : i32 to index
      %parallel_loop3A_83 = tpu.vector_load %arg6[%parallel_loop3A_82] {strides = array<i32>} : memref<16384xf32, #tpu.memory_space<vmem>>, vector<16xf32>,
      %parallel_loop3A_84 = arith.constant 5.16666651 : f32
      %parallel_loop3A_85 = vector.broadcast %parallel_loop3A_84 : f32 to vector<16xf32>
      %parallel_loop3A_86 = arith.mulf %parallel_loop3A_83, %parallel_loop3A_85 : vector<16xf32>
      %parallel_loop3A_87 = arith.constant 1.550100e+01 : f32
      %parallel_loop3A_88 = vector.broadcast %parallel_loop3A_87 : f32 to vector<16xf32>
      %parallel_loop3A_89 = arith.addf %parallel_loop3A_86, %parallel_loop3A_88 : vector<16xf32>
      %parallel_loop3A_90 = arith.constant 3.250000e+01 : f32
      %parallel_loop3A_91 = vector.broadcast %parallel_loop3A_90 : f32 to vector<16xf32>
      %parallel_loop3A_92 = arith.minimumf %parallel_loop3A_89, %parallel_loop3A_91 : vector<16xf32>
      %parallel_loop3A_93 = arith.constant 0.000000e+00 : f32
      %parallel_loop3A_94 = vector.broadcast %parallel_loop3A_93 : f32 to vector<16xf32>
      %parallel_loop3A_95 = arith.maximumf %parallel_loop3A_92, %parallel_loop3A_94 : vector<16xf32>
      %parallel_loop3A_96 = arith.fptosi %parallel_loop3A_95 : vector<16xf32> to vector<16xi32>
      %parallel_loop3A_97 = tpu.vector_load_idx %arg5[%parallel_loop3A_96] : memref<40xf32, #tpu.memory_space<vmem>>[vector<16xi32>], vector<16xf32>,
      %parallel_loop3A_98 = arith.cmpf oge, %parallel_loop3A_83, %parallel_loop3A_97 : vector<16xf32>
      %parallel_loop3A_99 = arith.extui %parallel_loop3A_98 : vector<16xi1> to vector<16xi32>
      %parallel_loop3A_100 = arith.addi %parallel_loop3A_96, %parallel_loop3A_99 : vector<16xi32>
      %parallel_loop3A_101 = arith.index_cast %parallel_loop3A_81 : i32 to index
      %parallel_loop3A_102 = tpu.vector_load %arg8[%parallel_loop3A_101] {strides = array<i32>} : memref<16384xi32, #tpu.memory_space<vmem>>, vector<16xi32>,
      tpu.vector_store %arg8[%parallel_loop3A_101], %parallel_loop3A_100 {strides = array<i32>} : memref<16384xi32, #tpu.memory_space<vmem>>, vector<16xi32>,
    } {sc.loop_unroll_factor = 8 : i64, sc.parallel_access}
    %add3A_54 = arith.constant 491520 : i32
    %add3A_55 = arith.addi %mul3A_2, %add3A_54 : i32
    %dma_start3A_56 = tpu.memref_slice %arg4[%add3A_55] : memref<16777216xi32, #tpu.memory_space<hbm>> -> memref<16384xi32, #tpu.memory_space<hbm>>
    %dma_start3A_57 = tpu.memref_slice %arg4[%add3A_55] : memref<16777216xi32, #tpu.memory_space<hbm>> -> memref<16384xi32, #tpu.memory_space<hbm>>
    tpu.enqueue_dma source(%arg8 : memref<16384xi32, #tpu.memory_space<vmem>>) target(%dma_start3A_57 : memref<16384xi32, #tpu.memory_space<hbm>>) target_semaphore(%arg12 : memref<!tpu.dma_semaphore, #tpu.memory_space<semaphore_mem>>)
    %add3A_58 = arith.constant 507904 : i32
    %add3A_59 = arith.addi %mul3A_2, %add3A_58 : i32
    %dma_wait3A_60 = tpu.memref_slice %arg3[%add3A_59] : memref<16777216xf32, #tpu.memory_space<hbm>> -> memref<16384xf32, #tpu.memory_space<hbm>>
    %dma_wait3A_61 = tpu.memref_slice %arg3[%add3A_59] : memref<16777216xf32, #tpu.memory_space<hbm>> -> memref<16384xf32, #tpu.memory_space<hbm>>
    tpu.wait_dma2 semaphore(%arg11 : memref<!tpu.dma_semaphore, #tpu.memory_space<semaphore_mem>>) src(%dma_wait3A_61 : memref<16384xf32, #tpu.memory_space<hbm>>) dst(%arg7 : memref<16384xf32, #tpu.memory_space<vmem>>)
    %add3A_62 = arith.constant 475136 : i32
    %add3A_63 = arith.addi %mul3A_2, %add3A_62 : i32
    %dma_wait3A_64 = tpu.memref_slice %arg4[%add3A_63] : memref<16777216xi32, #tpu.memory_space<hbm>> -> memref<16384xi32, #tpu.memory_space<hbm>>
    %dma_wait3A_65 = tpu.memref_slice %arg4[%add3A_63] : memref<16777216xi32, #tpu.memory_space<hbm>> -> memref<16384xi32, #tpu.memory_space<hbm>>
    tpu.wait_dma2 semaphore(%arg13 : memref<!tpu.dma_semaphore, #tpu.memory_space<semaphore_mem>>) src(%arg9 : memref<16384xi32, #tpu.memory_space<vmem>>) dst(%dma_wait3A_65 : memref<16384xi32, #tpu.memory_space<hbm>>)
    %parallel_loop3A_66 = arith.constant 0 : i32
    %parallel_loop3A_67 = arith.constant 16384 : i32
    %parallel_loop3A_68 = arith.constant 16 : i32
    scf.for %parallel_loop3A_81 = %parallel_loop3A_66 to %parallel_loop3A_67 step %parallel_loop3A_68  : i32 {
      %parallel_loop3A_82 = arith.index_cast %parallel_loop3A_81 : i32 to index
      %parallel_loop3A_83 = tpu.vector_load %arg7[%parallel_loop3A_82] {strides = array<i32>} : memref<16384xf32, #tpu.memory_space<vmem>>, vector<16xf32>,
      %parallel_loop3A_84 = arith.constant 5.16666651 : f32
      %parallel_loop3A_85 = vector.broadcast %parallel_loop3A_84 : f32 to vector<16xf32>
      %parallel_loop3A_86 = arith.mulf %parallel_loop3A_83, %parallel_loop3A_85 : vector<16xf32>
      %parallel_loop3A_87 = arith.constant 1.550100e+01 : f32
      %parallel_loop3A_88 = vector.broadcast %parallel_loop3A_87 : f32 to vector<16xf32>
      %parallel_loop3A_89 = arith.addf %parallel_loop3A_86, %parallel_loop3A_88 : vector<16xf32>
      %parallel_loop3A_90 = arith.constant 3.250000e+01 : f32
      %parallel_loop3A_91 = vector.broadcast %parallel_loop3A_90 : f32 to vector<16xf32>
      %parallel_loop3A_92 = arith.minimumf %parallel_loop3A_89, %parallel_loop3A_91 : vector<16xf32>
      %parallel_loop3A_93 = arith.constant 0.000000e+00 : f32
      %parallel_loop3A_94 = vector.broadcast %parallel_loop3A_93 : f32 to vector<16xf32>
      %parallel_loop3A_95 = arith.maximumf %parallel_loop3A_92, %parallel_loop3A_94 : vector<16xf32>
      %parallel_loop3A_96 = arith.fptosi %parallel_loop3A_95 : vector<16xf32> to vector<16xi32>
      %parallel_loop3A_97 = tpu.vector_load_idx %arg5[%parallel_loop3A_96] : memref<40xf32, #tpu.memory_space<vmem>>[vector<16xi32>], vector<16xf32>,
      %parallel_loop3A_98 = arith.cmpf oge, %parallel_loop3A_83, %parallel_loop3A_97 : vector<16xf32>
      %parallel_loop3A_99 = arith.extui %parallel_loop3A_98 : vector<16xi1> to vector<16xi32>
      %parallel_loop3A_100 = arith.addi %parallel_loop3A_96, %parallel_loop3A_99 : vector<16xi32>
      %parallel_loop3A_101 = arith.index_cast %parallel_loop3A_81 : i32 to index
      %parallel_loop3A_102 = tpu.vector_load %arg9[%parallel_loop3A_101] {strides = array<i32>} : memref<16384xi32, #tpu.memory_space<vmem>>, vector<16xi32>,
      tpu.vector_store %arg9[%parallel_loop3A_101], %parallel_loop3A_100 {strides = array<i32>} : memref<16384xi32, #tpu.memory_space<vmem>>, vector<16xi32>,
    } {sc.loop_unroll_factor = 8 : i64, sc.parallel_access}
    %add3A_69 = arith.constant 507904 : i32
    %add3A_70 = arith.addi %mul3A_2, %add3A_69 : i32
    %dma_start3A_71 = tpu.memref_slice %arg4[%add3A_70] : memref<16777216xi32, #tpu.memory_space<hbm>> -> memref<16384xi32, #tpu.memory_space<hbm>>
    %dma_start3A_72 = tpu.memref_slice %arg4[%add3A_70] : memref<16777216xi32, #tpu.memory_space<hbm>> -> memref<16384xi32, #tpu.memory_space<hbm>>
    tpu.enqueue_dma source(%arg9 : memref<16384xi32, #tpu.memory_space<vmem>>) target(%dma_start3A_72 : memref<16384xi32, #tpu.memory_space<hbm>>) target_semaphore(%arg13 : memref<!tpu.dma_semaphore, #tpu.memory_space<semaphore_mem>>)
    %add3A_73 = arith.constant 491520 : i32
    %add3A_74 = arith.addi %mul3A_2, %add3A_73 : i32
    %dma_wait3A_75 = tpu.memref_slice %arg4[%add3A_74] : memref<16777216xi32, #tpu.memory_space<hbm>> -> memref<16384xi32, #tpu.memory_space<hbm>>
    %dma_wait3A_76 = tpu.memref_slice %arg4[%add3A_74] : memref<16777216xi32, #tpu.memory_space<hbm>> -> memref<16384xi32, #tpu.memory_space<hbm>>
    tpu.wait_dma2 semaphore(%arg12 : memref<!tpu.dma_semaphore, #tpu.memory_space<semaphore_mem>>) src(%arg8 : memref<16384xi32, #tpu.memory_space<vmem>>) dst(%dma_wait3A_76 : memref<16384xi32, #tpu.memory_space<hbm>>)
    %add3A_77 = arith.constant 507904 : i32
    %add3A_78 = arith.addi %mul3A_2, %add3A_77 : i32
    %dma_wait3A_79 = tpu.memref_slice %arg4[%add3A_78] : memref<16777216xi32, #tpu.memory_space<hbm>> -> memref<16384xi32, #tpu.memory_space<hbm>>
    %dma_wait3A_80 = tpu.memref_slice %arg4[%add3A_78] : memref<16777216xi32, #tpu.memory_space<hbm>> -> memref<16384xi32, #tpu.memory_space<hbm>>
    tpu.wait_dma2 semaphore(%arg13 : memref<!tpu.dma_semaphore, #tpu.memory_space<semaphore_mem>>) src(%arg9 : memref<16384xi32, #tpu.memory_space<vmem>>) dst(%dma_wait3A_80 : memref<16384xi32, #tpu.memory_space<hbm>>)
    return
  }
}

</mosaic_0001>

<sc_bundles>
// kernel: kernel.3.cloned.1.call-start
scs
__scs_entry_jumppad:
0x0: {  	(pc) =	sbr.rel $0x88, $3  }
0x1: {  	(tag) =	ssettag $0x0;
	lr =	simm.s32 $0x1  }
0x2: {  	[smem:$0x3FA0] =	sst lr;
	_ =	strace $0xD0000000  }
0x3: {  	_ = 	snop  }
0x4: {  	_ = 	snop  }
0x5: {  	_ = 	snop  }
0x6: {  	_ = 	snop  }
0x7: {  	_ = 	snop  }
__scs_overlays_trampoline_lowered:
0x8: {  	[smem:$0x3FAF] =	sst s0  }
0x9: {  	[smem:$0x3FB0] =	sst s1  }
0xa: {  	[smem:$0x3FB1] =	sst s2  }
0xb: {  	[smem:$0x3FB2] =	sst s3  }
0xc: {  	[smem:$0x3FB3] =	sst s4  }
0xd: {  	[smem:$0x3FB4] =	sst s5  }
0xe: {  	[smem:$0x3FB5] =	sst s6  }
0xf: {  	[smem:$0x3FB6] =	sst s7  }
0x10: {  	[smem:$0x3FB7] =	sst s8  }
0x11: {  	[smem:$0x3FB8] =	sst s9;
	s0 =	simm.s32 @!p0 $0x0  }
0x12: {  	s1 =	sld [smem:$0x3F9E];
	s0 =	simm.s32 @p0 $0x1  }
0x13: {  	[smem:$0x3FB9] =	sst s0;
	s0 =	simm.s32 @!p1 $0x0  }
0x14: {  	s2 =	sld [smem:$0x3F9D];
	s0 =	simm.s32 @p1 $0x1  }
0x15: {  	[smem:$0x3FBA] =	sst s0;
	s0 =	simm.s32 @!p2 $0x0  }
0x16: {  	s3 =	sld [smem:$0x3FDB];
	s0 =	simm.s32 @p2 $0x1  }
0x17: {  	s4 =	simm.s32 $0x1BF5;
	[smem:$0x3FBC] =	sst s0  }
0x18: {  	s0 =	sld [smem:$0x3F9F];
	_ =	swait.ge [sflag:s4], $0x0  }
0x19: {  	s7 =	sld [smem:$0x3FA0]  }
0x1a: {  	s8 =	sadd.s32 $0xFFFFE003, lr  }
0x1b: {  	s9 =	sadd.s32 $0xFFFFFEF7, lr;
	s5 =	simm.s32 $0xFFFFFFFF;
	p2 =	slt.u32 s8, $0xFFFFF086  }
0x1c: {  	p1 =	slt.u32 s9, $0xF7A;
	s5 =	simm.s32 @!p2 $0x0  }
0x1d: {  	s5 =	simm.s32 @p1 $0x1;
	p0 =	seq.s32 s7, s2  }
0x1e: {  	s7 =	smul.u32 @!p0 $0xF7A, s2;
	p2 =	seq.s32 @!p0 s5, $0x0  }
0x1f: {  	s9 =	smul.u32 $0xF7A, s1;
	s8 =	simm.s32 @!p0 $0x1BF5;
	p2 =	por !p2, p0  }
0x20: {  	[sflag:s8] =	ssyncset.s32 @!p0 $0xFFFFF086;
	s6 =	sadd.s32 @!p0 s3, s7;
	s7 =	simm.s32 @!p0 $0x108  }
0x21: {  	s3 =	sadd.s32 s3, s9;
	s6 =	sadd.s32 @!p0 $0x88, s6;
	s7 =	simm.s32 @p2 $0x1082  }
0x22: {  	[simem:s7], [sflag:s8] =	dma.local @!p0 [hbm:s6], $0xF7A  }
0x23: {  	s9 =	sor.u32 $0xD0000000, s2;
	s6 =	simm.s32 $0x108;
	_ =	swait.ge @!p0 [sflag:s8], $0x0  }
0x24: {  	s3 =	sadd.s32 $0x88, s3;
	s6 =	simm.s32 @!p1 $0x1082;
	[sflag:s4] =	ssyncset.s32 $0xFFFFF086  }
0x25: {  	[simem:s6], [sflag:s4] =	dma.local [hbm:s3], $0xF7A  }
0x26: {  	[smem:$0x3FA0] =	sst s1;
	(tag) =	ssettag s2;
	_ =	strace s9  }
0x27: {  	s1 =	sld [smem:$0x3FB0]  }
0x28: {  	s2 =	sld [smem:$0x3FB1]  }
0x29: {  	s4 =	sld [smem:$0x3FB3]  }
0x2a: {  	p0 =	seq.s32 s5, $0x0;
	s5 =	sld [smem:$0x3FB4]  }
0x2b: {  	s6 =	sld [smem:$0x3FB5]  }
0x2c: {  	s7 =	sld [smem:$0x3FB6]  }
0x2d: {  	s3 =	simm.s32 $0x108;
	s8 =	sld [smem:$0x3FB7]  }
0x2e: {  	s3 =	simm.s32 @!p0 $0x1082;
	s9 =	sld [smem:$0x3FB8]  }
0x2f: {  	lr =	sadd.s32 s0, s3;
	s0 =	sld [smem:$0x3FAF]  }
0x30: {  	s3 =	sld [smem:$0x3FB2]  }
0x31: {  	[smem:$0x3FBB] =	sst s10  }
0x32: {  	s10 =	sld [smem:$0x3FB9];
	_ =	sdelay $0x3  }
0x33: {  	p0 =	seq.s32 s10, $0x1;
	s10 =	sld [smem:$0x3FBB];
	_ =	sdelay $0x3  }
0x34: {  	[smem:$0x3FBB] =	sst s10  }
0x35: {  	s10 =	sld [smem:$0x3FBA];
	_ =	sdelay $0x3  }
0x36: {  	p1 =	seq.s32 s10, $0x1;
	s10 =	sld [smem:$0x3FBB];
	_ =	sdelay $0x3  }
0x37: {  	[smem:$0x3FBB] =	sst s10  }
0x38: {  	s10 =	sld [smem:$0x3FBC]  }
0x39: {  	_ = 	snop;
	(pc) =	sbr.ind lr, $3  }
0x3a: {  	_ = 	snop  }
0x3b: {  	_ = 	snop  }
0x3c: {  	p2 =	seq.s32 s10, $0x1;
	s10 =	sld [smem:$0x3FBB]  }
0x3d: {  	_ =	shalt  }
0x3e: {  	_ =	shalt  }
0x3f: {  	_ =	shalt  }
0x40: {  	_ =	shalt  }
0x41: {  	_ =	shalt  }
0x42: {  	_ =	shalt  }
0x43: {  	_ =	shalt  }
0x44: {  	_ =	shalt  }
0x45: {  	_ =	shalt  }
0x46: {  	_ =	shalt  }
0x47: {  	_ =	shalt  }
0x48: {  	_ =	shalt  }
0x49: {  	_ =	shalt  }
0x4a: {  	_ =	shalt  }
0x4b: {  	_ =	shalt  }
0x4c: {  	_ =	shalt  }
0x4d: {  	_ =	shalt  }
0x4e: {  	_ =	shalt  }
0x4f: {  	_ =	shalt  }
0x50: {  	_ =	shalt  }
0x51: {  	_ =	shalt  }
0x52: {  	_ =	shalt  }
0x53: {  	_ =	shalt  }
0x54: {  	_ =	shalt  }
0x55: {  	_ =	shalt  }
0x56: {  	_ =	shalt  }
0x57: {  	_ =	shalt  }
0x58: {  	_ =	shalt  }
0x59: {  	_ =	shalt  }
0x5a: {  	_ =	shalt  }
0x5b: {  	_ =	shalt  }
0x5c: {  	_ =	shalt  }
0x5d: {  	_ =	shalt  }
0x5e: {  	_ =	shalt  }
0x5f: {  	_ =	shalt  }
0x60: {  	_ =	shalt  }
0x61: {  	_ =	shalt  }
0x62: {  	_ =	shalt  }
0x63: {  	_ =	shalt  }
0x64: {  	_ =	shalt  }
0x65: {  	_ =	shalt  }
0x66: {  	_ =	shalt  }
0x67: {  	_ =	shalt  }
0x68: {  	_ =	shalt  }
0x69: {  	_ =	shalt  }
0x6a: {  	_ =	shalt  }
0x6b: {  	_ =	shalt  }
0x6c: {  	_ =	shalt  }
0x6d: {  	_ =	shalt  }
0x6e: {  	_ =	shalt  }
0x6f: {  	_ =	shalt  }
0x70: {  	_ =	shalt  }
0x71: {  	_ =	shalt  }
0x72: {  	_ =	shalt  }
0x73: {  	_ =	shalt  }
0x74: {  	_ =	shalt  }
0x75: {  	_ =	shalt  }
0x76: {  	_ =	shalt  }
0x77: {  	_ =	shalt  }
0x78: {  	_ =	shalt  }
0x79: {  	_ =	shalt  }
0x7a: {  	_ =	shalt  }
0x7b: {  	_ =	shalt  }
0x7c: {  	_ =	shalt  }
0x7d: {  	_ =	shalt  }
0x7e: {  	_ =	shalt  }
0x7f: {  	_ =	shalt  }
0x80: {  	_ =	shalt  }
0x81: {  	_ =	shalt  }
0x82: {  	_ =	shalt  }
0x83: {  	_ =	shalt  }
0x84: {  	_ =	shalt  }
0x85: {  	_ =	shalt  }
0x86: {  	_ =	shalt  }
0x87: {  	_ =	shalt  }
.Lfunc_end0:
.L_simem_size_0:
called_computation_lowered:
.L_overlay_start_0:
0x88: {  	s2 =	sld [smem:$0x3FD9]  }
0x89: {  	s3 =	sld [smem:$0x3FFE];
	_ =	sdelay $0x1  }
0x8a: {  	s1 =	srdreg.scid  }
0x8b: {  	s0 =	sand.u32 $0x1, s1  }
0x8c: {  	s17 =	sshll.u32 s0, $0xA;
	s2 =	sadd.s32 s3, s2  }
0x8d: {  	s2 =	sadd.s32 s2, s17  }
0x8e: {  	[smem:$0x3FC7] =	sst s2  }
0x8f: {  	_ = 	snop  }
0x90: {  	s2 =	sld [smem:$0x3FC9]  }
0x91: {  	s18 =	sld [smem:$0x3FD0];
	(tm) =	ssettm $0x1  }
0x92: {  	s4 =	sld [smem:$0x3FFB];
	_ =	sdelay $0x3  }
0x93: {  	_ =	strace s4  }
0x94: {  	s4 =	sld [smem:$0x3FFC];
	_ =	sdelay $0x3  }
0x95: {  	_ =	strace s4  }
0x96: {  	s4 =	sld [smem:$0x3FFD];
	_ =	sdelay $0x3  }
0x97: {  	_ =	strace s4  }
0x98: {  	_ =	strace $0x8FFFFFFF  }
0x99: {  	s19 =	sld [smem:$0x3FDB];
	_ =	sdelay $0x1  }
0x9a: {  	s5 =	simm.s32 $_scs_section_size  }
0x9b: {  	s6 =	simm.s32 $_size__tile_overlayer_lowered;
	s7 =	simm.s32 $_tile_overlayer_lowered  }
0x9c: {  	s22 =	simm.s32 $0x1BFF;
	s21 =	sshll.u32 s7, $0x1;
	s4 =	sadd.s32 s5, s19  }
0x9d: {  	s8 =	simm.s32 $0x0;
	s20 =	sshll.u32 s6, $0x1;
	s6 =	sadd.s32 s21, s4  }
0x9e: {  	[timem:s8], [sflag:s22] =	dma.local [hbm:s6], s20  }
0x9f: {  	_ =	swait.ge [sflag:s22], s20  }
0xa0: {  	s5 =	ssub.s32 $0x0, s20;
	[sflag:s22] =	ssyncset.done $0x0  }
0xa1: {  	[sflag:s22] =	ssyncadd.s32 s5;
	_ =	sdelay $0x1  }
0xa2: {  	s23 =	simm.s32 $0x1B8B  }
0xa3: {  	_ =	swait.ge [sflag:s23], $0x1  }
0xa4: {  	[sflag:s23] =	ssyncset.done $0x0  }
0xa5: {  	s25 =	simm.s32 $0x1B8E;
	s24 =	sld [smem:$0x3FFE];
	[sflag:s23] =	ssyncadd.s32 $0xFFFFFFFF  }
0xa6: {  	s26 =	simm.s32 $execute0_lowered;
	[smem:$0x3FD2] =	sst s25  }
0xa7: {  	s6 =	sshll.u32 s26, $0x1;
	_ =	strace $0x80000046;
	[dreg:$0x1] =	wrdreg $0xFFFFFFFF  }
0xa8: {  	s28 =	simm.s32 $_size_execute0_lowered;
	s4 =	sadd.s32 s4, s6;
	[dreg:$0x0] =	wrdreg $0x0  }
0xa9: {  	s6 =	sshll.u32 s28, $0x1;
	[dreg:$0x2] =	wrdreg s4  }
0xaa: {  	[dreg:$0x3] =	wrdreg s6  }
0xab: {  	[dreg:$0x4] =	wrdreg $0xC0  }
0xac: {  	_ =	task [dreg:s8], $0x5FFFF  }
0xad: {  	[dreg:$0x1] =	wrdreg $0xFFFFFFFF  }
0xae: {  	[dreg:$0x0] =	wrdreg $0x60  }
0xaf: {  	[dreg:$0x2] =	wrdreg s24  }
0xb0: {  	[dreg:$0x3] =	wrdreg s2  }
0xb1: {  	[dreg:$0x4] =	wrdreg s18  }
0xb2: {  	[dreg:$0x5] =	wrdreg $0x9  }
0xb3: {  	_ =	task.clear_ibuf [dreg:s8], $0x6FFFF;
	_ =	strace $0x90000046  }
0xb4: {  	s29 =	simm.s32 $0x9;
	_ =	strace $0x80000048  }
0xb5: {  	_ =	swait.ge [sflag:s29], $0x1  }
0xb6: {  	[sflag:s29] =	ssyncadd.s32 $0xFFFFFFFF  }
0xb7: {  	_ =	strace $0x90000048  }
0xb8: {  	_ =	sfence  }
0xb9: {  	s30 =	sld [smem:$0x0];
	_ =	sdelay $0x2  }
0xba: {  	s31 =	sshll.u32 s1, $0xD;
	s1 =	sshrl.u32 s1, $0x2  }
0xbb: {  	s3 =	sand.u32 $0x4000, s31;
	s1 =	sadd.s32 s1, s30  }
0xbc: {  	s0 =	sor.u32 s3, s0;
	s1 =	sshll.u32 s1, $0x11  }
0xbd: {  	s0 =	sor.u32 s1, s0  }
0xbe: {  	s0 =	sadd.s32 $0x8F2B, s0  }
0xbf: {  	[sflag:s0] =	ssyncadd.remote.s32 $0x1  }
0xc0: {  	_ =	sfence.sel $0xFFFF  }
0xc1: {  	[dreg:$0x0] =	wrdreg $0xFFFFFFFF;
	(pc) =	sbr.abs _section_cstart, $3  }
0xc2: {  	[dreg:$0x1] =	wrdreg $0xFFFFFFFF  }
0xc3: {  	_ =	task.clear_ibuf [dreg:s8], $0x2FFFF;
	_ =	strace $0x9FFFFFFF  }
0xc4: {  	(tm) =	ssettm $0x7FFFFFFF  }
0xc5: {  	_ =	shalt  }
tec
execute0_lowered:
.L_overlay_start_1:
0x0: {  	(tag) =	ssettag $0x1  }
0x1: {  	s0 =	rddreg [dreg:$0x0]  }
0x2: {  	s2 =	rddreg [dreg:$0x1]  }
0x3: {  	s3 =	rddreg [dreg:$0x2]  }
0x4: {  	s1 =	srdreg.scid;
	s5 =	stileid.u32  }
0x5: {  	s4 =	simm.s32 $0x0;
	s17 =	simm.s32 $0x80;
	s18 =	simm.s32 $0x4080  }
0x6: {  	s19 =	simm.s32 $0x5;
	s20 =	simm.s32 $0x1;
	s21 =	simm.s32 $0x8080  }
0x7: {  	s22 =	simm.s32 $0x2;
	s23 =	simm.s32 $0xC080;
	s24 =	simm.s32 $0x3  }
0x8: {  	s25 =	simm.s32 $0x4;
	s1 =	sand.u32 $0x1, s1;
	s5 =	sshll.u32 s5, $0x14  }
0x9: {  	[smem:$0x7FF] =	sst s4;
	s0 =	sadd.s32 $0x400, s0;
	s6 =	sshll.u32 s1, $0x13  }
0xa: {  	s1 =	ssub.s32 $0x2, s1;
	_ =	strace $0x80000047;
	s5 =	sor.u32 s6, s5  }
0xb: {  	[dreg:$0x4] =	wrdreg s0;
	s26 =	sshrl.u32 s1, $0x1;
	s8 =	sshrl.u32 s5, $0x3  }
0xc: {  	s28 =	ssub.s32 s1, s26;
	s12 =	sor.u32 $0x8000, s5;
	s26 =	simm.s32 $0x0  }
0xd: {  	s29 =	sor.u32 $0x800, s8;
	s7 =	sadd.s32 s2, s8;
	s9 =	sadd.s32 s3, s8  }
0xe: {  	s31 =	sor.u32 $0xF800, s8;
	s16 =	smax.u32 s28, $0x1;
	s30 =	sadd.s32 s2, s29  }
0xf: {  	s10 =	sadd.s32 $0x1000, s7;
	s11 =	sadd.s32 s3, s29;
	s13 =	sadd.s32 s2, s31  }
0x10: {  	v0 =	vimm.s32 $0x0;
	s14 =	sadd.s32 $0xF000, s9;
	s15 =	sadd.s32 s3, s31;
	[dreg:$0x5] =	wrdreg s30  }
.LBB2_1:
0x11: {  	s0 =	rddreg [dreg:$0x4]  }
0x12: {  	[tilespmem:s4], [sflag:$0x5] =	stream.linear.gather [hbm4b:s0+s4], $0x80, $0x38;
	[tilespmem:$0x10080] =	vst v63  }
0x13: {  	_ = 	snop  }
0x14: {  	[tilespmem:s17], [sflag:$0x1] =	stream.linear.gather [hbm4b:s7+s4], $0x4000, $0x38;
	[tilespmem:$0x10080] =	vst v63  }
0x15: {  	s29 =	rddreg [dreg:$0x5]  }
0x16: {  	[tilespmem:s18], [sflag:$0x2] =	stream.linear.gather [hbm4b:s29+s4], $0x4000, $0x38;
	[tilespmem:$0x10080] =	vst v63  }
0x17: {  	_ =	swait.ge [sflag:s19], $0x80  }
0x18: {  	[sflag:s19] =	ssyncset.done $0x0  }
0x19: {  	[sflag:s19] =	ssyncadd.s32 $0xFFFFFF80  }
0x1a: {  	_ =	swait.ge [sflag:s20], $0x4000  }
0x1b: {  	[sflag:s20] =	ssyncset.done $0x0  }
0x1c: {  	s30 =	simm.s32 $0xC0;
	[sflag:s20] =	ssyncadd.s32 $0xFFFFC000  }
0x1d: {  	v2 =	vld [tilespmem:s30+$0x30]  }
0x1e: {  	v16 =	vld [tilespmem:s30+$0xFFFFFFD0]  }
0x1f: {  	v17 =	vld [tilespmem:s30+$0xFFFFFFE0]  }
0x20: {  	v18 =	vld [tilespmem:s30+$0xFFFFFFF0]  }
0x21: {  	v19 =	vld [tilespmem:s30+$0x0]  }
0x22: {  	v23 =	vld [tilespmem:s30+$0x10]  }
0x23: {  	s31 =	simm.s32 $0x140;
	v20 =	vld [tilespmem:s30+$0xFFFFFFC0]  }
0x24: {  	v15 =	vld [tilespmem:s31+$0x30]  }
0x25: {  	v1 =	vmul.f32 $5.166666510e+00, v2;
	v3 =	vmul.f32 $5.166666510e+00, v16  }
0x26: {  	v4 =	vmul.f32 $5.166666510e+00, v17;
	v5 =	vmul.f32 $5.166666510e+00, v18  }
0x27: {  	v6 =	vmul.f32 $5.166666510e+00, v19;
	v7 =	vmul.f32 $5.166666510e+00, v23;
	v1 =	vadd.f32 $1.550100040e+01, v1  }
0x28: {  	v8 =	vmul.f32 $5.166666510e+00, v20;
	v3 =	vadd.f32 $1.550100040e+01, v3;
	v4 =	vadd.f32 $1.550100040e+01, v4  }
0x29: {  	v24 =	vmul.f32 $5.166666510e+00, v15;
	v7 =	vadd.f32 $1.550100040e+01, v7;
	v1 =	vclamp.gez.f32 v1, $3.250000000e+01  }
0x2a: {  	v25 =	vld [tilespmem:s30+$0x20];
	v8 =	vadd.f32 $1.550100040e+01, v8;
	v3 =	vclamp.gez.f32 v3, $3.250000000e+01;
	v4 =	vclamp.gez.f32 v4, $3.250000000e+01  }
0x2b: {  	v7 =	vclamp.gez.f32 v7, $3.250000000e+01;
	v1 =	vtrunc.f32 v1  }
0x2c: {  	v8 =	vclamp.gez.f32 v8, $3.250000000e+01;
	v21 =	vcvt.f32.s32 v1  }
0x2d: {  	v3 =	vtrunc.f32 v3;
	v9 =	vtrunc.f32 v4  }
0x2e: {  	v8 =	vtrunc.f32 v8;
	v7 =	vtrunc.f32 v7;
	v1 =	vadd.f32 $1.550100040e+01, v5  }
0x2f: {  	v5 =	vadd.f32 $1.550100040e+01, v6;
	v6 =	vmul.f32 $5.166666510e+00, v25;
	v12 =	vcvt.f32.s32 v8  }
0x30: {  	v13 =	vcvt.f32.s32 v3;
	v14 =	vcvt.f32.s32 v9;
	v3 =	vld [tilespmem:s31+$0x0]  }
0x31: {  	v7 =	vcvt.f32.s32 v7;
	v9 =	vld [tilespmem:s31+$0xFFFFFFC0];
	v1 =	vclamp.gez.f32 v1, $3.250000000e+01;
	v6 =	vadd.f32 $1.550100040e+01, v6  }
0x32: {  	v5 =	vclamp.gez.f32 v5, $3.250000000e+01;
	v1 =	vtrunc.f32 v1;
	v22 =	vld.idx.msk [tilespmem:v21+s4+$0x0], $0xffff  }
0x33: {  	v24 =	vadd.f32 $1.550100040e+01, v24;
	v10 =	vtrunc.f32 v5;
	v5 =	vld [tilespmem:s31+$0xFFFFFFE0];
	v6 =	vclamp.gez.f32 v6, $3.250000000e+01  }
0x34: {  	v11 =	vcvt.f32.s32 v1;
	v8 =	vtrunc.f32 v6;
	v6 =	vld [tilespmem:s31+$0xFFFFFFF0]  }
0x35: {  	v24 =	vclamp.gez.f32 v24, $3.250000000e+01;
	v1 =	vld [tilespmem:s31+$0x10];
	v28 =	vmul.f32 $5.166666510e+00, v3  }
0x36: {  	v4 =	vld [tilespmem:s31+$0xFFFFFFD0];
	v10 =	vcvt.f32.s32 v10;
	v34 =	vmul.f32 $5.166666510e+00, v9  }
0x37: {  	v8 =	vcvt.f32.s32 v8;
	v29 =	vld.idx.msk [tilespmem:v12+s4+$0x0], $0xffff;
	v28 =	vadd.f32 $1.550100040e+01, v28;
	vm0 =	vge.f32 v2, v22  }
0x38: {  	v33 =	vld.idx.msk [tilespmem:v14+s4+$0x0], $0xffff;
	v34 =	vadd.f32 $1.550100040e+01, v34;
	v27 =	vmul.f32 $5.166666510e+00, v5;
	v26 =	vsel vm0, $0x1, v0  }
0x39: {  	v37 =	vld.idx.msk [tilespmem:v7+s4+$0x0], $0xffff;
	v28 =	vclamp.gez.f32 v28, $3.250000000e+01;
	v26 =	vadd.s32 v26, v21;
	v21 =	vmul.f32 $5.166666510e+00, v6  }
0x3a: {  	v31 =	vmul.f32 $5.166666510e+00, v1;
	v27 =	vadd.f32 $1.550100040e+01, v27;
	v35 =	vld.idx.msk [tilespmem:v11+s4+$0x0], $0xffff;
	v28 =	vtrunc.f32 v28  }
0x3b: {  	v22 =	vmul.f32 $5.166666510e+00, v4;
	v2 =	vld [tilespmem:s31+$0x20];
	v30 =	vadd.f32 $1.550100040e+01, v21;
	v21 =	vtrunc.f32 v24  }
0x3c: {  	v36 =	vld.idx.msk [tilespmem:v10+s4+$0x0], $0xffff;
	v31 =	vadd.f32 $1.550100040e+01, v31;
	v27 =	vclamp.gez.f32 v27, $3.250000000e+01;
	v21 =	vcvt.f32.s32 v21  }
0x3d: {  	vm0 =	vge.f32 v20, v29;
	v20 =	vclamp.gez.f32 v34, $3.250000000e+01;
	v22 =	vadd.f32 $1.550100040e+01, v22  }
0x3e: {  	vm2 =	vge.f32 v17, v33;
	v31 =	vclamp.gez.f32 v31, $3.250000000e+01;
	v27 =	vtrunc.f32 v27;
	v24 =	vld.idx.msk [tilespmem:v13+s4+$0x0], $0xffff  }
0x3f: {  	v22 =	vclamp.gez.f32 v22, $3.250000000e+01;
	vm3 =	vge.f32 v18, v35;
	v18 =	vcvt.f32.s32 v27  }
0x40: {  	vm5 =	vge.f32 v23, v37;
	v63 =	vld.idx.msk [tilespmem:v8+s4+$0x0], $0xffff;
	v32 =	vmul.f32 $5.166666510e+00, v2;
	v38 =	vtrunc.f32 v22  }
0x41: {  	vm4 =	vge.f32 v19, v36;
	v22 =	vtrunc.f32 v31;
	v30 =	vclamp.gez.f32 v30, $3.250000000e+01  }
0x42: {  	v19 =	vcvt.f32.s32 v38;
	v32 =	vadd.f32 $1.550100040e+01, v32;
	v30 =	vtrunc.f32 v30;
	v23 =	vld.idx.msk [tilespmem:v21+s4+$0x0], $0xffff  }
0x43: {  	v17 =	vcvt.f32.s32 v30;
	vm1 =	vge.f32 v16, v24;
	v16 =	vtrunc.f32 v20  }
0x44: {  	s0 =	simm.s32 $0x80C0;
	v32 =	vclamp.gez.f32 v32, $3.250000000e+01;
	v20 =	vcvt.f32.s32 v16  }
0x45: {  	s1 =	simm.s32 $0x80;
	s6 =	simm.s32 $0x1C0;
	s28 =	simm.s32 $0x80C0;
	[tilespmem:s0+$0x30] =	vst v26;
	vm6 =	vge.f32 v25, v63;
	v24 =	vtrunc.f32 v32;
	v16 =	vcvt.f32.s32 v28  }
.LBB2_2:
0x46: {  	v25 =	vld [tilespmem:s6+$0x30];
	s1 =	sadd.s32 $0x80, s1;
	v22 =	vcvt.f32.s32 v22;
	v24 =	vcvt.f32.s32 v24;
	v26 =	vsel vm0, $0x1, v0  }
0x47: {  	vm0 =	vge.f32 v15, v23;
	v15 =	vsel vm1, $0x1, v0;
	v23 =	vsel vm2, $0x1, v0;
	v27 =	vld [tilespmem:s6+$0xFFFFFFD0];
	p0 =	slt.u32 s1, $0x3F80  }
0x48: {  	v30 =	vsel vm3, $0x1, v0;
	v31 =	vsel vm4, $0x1, v0;
	v29 =	vsel vm0, $0x1, v0;
	v28 =	vld [tilespmem:s6+$0xFFFFFFE0]  }
0x49: {  	v33 =	vsel vm6, $0x1, v0;
	s0 =	sadd.s32 $0x80, s0;
	v21 =	vadd.s32 v29, v21;
	v29 =	vsel vm5, $0x1, v0;
	v32 =	vld [tilespmem:s6+$0xFFFFFFF0]  }
0x4a: {  	v12 =	vadd.s32 v26, v12;
	v13 =	vadd.s32 v15, v13;
	v14 =	vadd.s32 v23, v14;
	v34 =	vld [tilespmem:s6+$0x0];
	[tilespmem:s0+$0x30] =	vst v21  }
0x4b: {  	v11 =	vadd.s32 v30, v11;
	v23 =	vadd.s32 v31, v10;
	v26 =	vld [tilespmem:s6+$0x10];
	v21 =	vmul.f32 $5.166666510e+00, v25;
	[tilespmem:s28+$0xFFFFFFC0] =	vst v12;
	v15 =	vmovc v25  }
0x4c: {  	v30 =	vadd.s32 v33, v8;
	v29 =	vadd.s32 v29, v7;
	v7 =	vmovc v22;
	v35 =	vmul.f32 $5.166666510e+00, v27;
	v25 =	vld [tilespmem:s6+$0x20];
	[tilespmem:s28+$0xFFFFFFD0] =	vst v13  }
0x4d: {  	v8 =	vmovc v24;
	v12 =	vmovc v20;
	v13 =	vmov v19;
	v22 =	vld [tilespmem:s6+$0xFFFFFFC0];
	v31 =	vmul.f32 $5.166666510e+00, v28;
	v21 =	vadd.f32 $1.550100040e+01, v21;
	[tilespmem:s28+$0xFFFFFFE0] =	vst v14  }
0x4e: {  	v10 =	vmovc v16;
	v14 =	vmovc v18;
	v24 =	vadd.f32 $1.550100040e+01, v35;
	v33 =	vmul.f32 $5.166666510e+00, v32;
	v20 =	vld.idx.msk [tilespmem:v20+s4+$0x0], $0xffff;
	[tilespmem:s28+$0xFFFFFFF0] =	vst v11;
	v11 =	vmov v17  }
0x4f: {  	v31 =	vadd.f32 $1.550100040e+01, v31;
	v35 =	vmul.f32 $5.166666510e+00, v34;
	v21 =	vclamp.gez.f32 v21, $3.250000000e+01;
	v19 =	vld.idx.msk [tilespmem:v19+s4+$0x0], $0xffff;
	[tilespmem:s28+$0x0] =	vst v23  }
0x50: {  	v23 =	vadd.f32 $1.550100040e+01, v33;
	v33 =	vmul.f32 $5.166666510e+00, v26;
	v21 =	vtrunc.f32 v21;
	v18 =	vld.idx.msk [tilespmem:v18+s4+$0x0], $0xffff;
	[tilespmem:s28+$0x10] =	vst v29  }
0x51: {  	v29 =	vadd.f32 $1.550100040e+01, v35;
	v35 =	vmul.f32 $5.166666510e+00, v25;
	v21 =	vcvt.f32.s32 v21;
	v17 =	vld.idx.msk [tilespmem:v17+s4+$0x0], $0xffff;
	[tilespmem:s28+$0x20] =	vst v30;
	s28 =	smov.u32 s0  }
0x52: {  	v24 =	vclamp.gez.f32 v24, $3.250000000e+01;
	v30 =	vmul.f32 $5.166666510e+00, v22;
	v33 =	vadd.f32 $1.550100040e+01, v33;
	v16 =	vld.idx.msk [tilespmem:v16+s4+$0x0], $0xffff  }
0x53: {  	v31 =	vclamp.gez.f32 v31, $3.250000000e+01;
	v23 =	vclamp.gez.f32 v23, $3.250000000e+01;
	v35 =	vadd.f32 $1.550100040e+01, v35;
	v36 =	vld.idx.msk [tilespmem:v7+s4+$0x0], $0xffff  }
0x54: {  	v29 =	vclamp.gez.f32 v29, $3.250000000e+01;
	v30 =	vadd.f32 $1.550100040e+01, v30;
	v33 =	vclamp.gez.f32 v33, $3.250000000e+01;
	v37 =	vld.idx.msk [tilespmem:v8+s4+$0x0], $0xffff  }
0x55: {  	v38 =	vtrunc.f32 v24;
	vm0 =	vge.f32 v9, v20;
	v9 =	vmovc v22;
	v24 =	vclamp.gez.f32 v35, $3.250000000e+01  }
0x56: {  	vm1 =	vge.f32 v4, v19;
	v4 =	vmovc v27;
	v20 =	vclamp.gez.f32 v30, $3.250000000e+01;
	v30 =	vtrunc.f32 v31  }
.Ltmp0:
0x57: {  	v27 =	vtrunc.f32 v23;
	vm2 =	vge.f32 v5, v18;
	v5 =	vmovc v28;
	v19 =	vtrunc.f32 v20;
	v23 =	vld.idx.msk [tilespmem:v21+s4+$0x0], $0xffff;
	(pc) =	sbr.rel @p0 .LBB2_2-.Ltmp0, $4  }
0x58: {  	v28 =	vtrunc.f32 v29;
	v22 =	vtrunc.f32 v33;
	vm3 =	vge.f32 v6, v17;
	v6 =	vmovc v32  }
0x59: {  	v24 =	vtrunc.f32 v24;
	vm4 =	vge.f32 v3, v16;
	v3 =	vmovc v34;
	v20 =	vcvt.f32.s32 v19  }
0x5a: {  	v18 =	vcvt.f32.s32 v30;
	v19 =	vcvt.f32.s32 v38;
	vm5 =	vge.f32 v1, v36;
	v1 =	vmovc v26  }
0x5b: {  	s6 =	sadd.s32 $0x80, s6;
	v17 =	vcvt.f32.s32 v27;
	v16 =	vcvt.f32.s32 v28;
	vm6 =	vge.f32 v2, v37;
	v2 =	vmovc v25  }
0x5c: {  	_ = 	snop  }
0x5d: {  	vm7 =	vge.f32 v15, v23  }
0x5e: {  	v15 =	vsel vm7, $0x1, v0  }
0x5f: {  	v22 =	vcvt.f32.s32 v22;
	v23 =	vsel vm0, $0x1, v0;
	s0 =	sadd.s32 $0x80, s0;
	v15 =	vadd.s32 v15, v21  }
0x60: {  	v12 =	vadd.s32 v23, v12;
	v21 =	vcvt.f32.s32 v24;
	v24 =	vsel vm1, $0x1, v0;
	[tilespmem:s0+$0x30] =	vst v15;
	v15 =	vld.idx.msk [tilespmem:v20+s4+$0x0], $0xffff  }
0x61: {  	v23 =	vsel vm2, $0x1, v0;
	[tilespmem:s28+$0xFFFFFFC0] =	vst v12;
	v12 =	vld.idx.msk [tilespmem:v19+s4+$0x0], $0xffff;
	v13 =	vadd.s32 v24, v13  }
0x62: {  	v14 =	vadd.s32 v23, v14;
	v24 =	vsel vm3, $0x1, v0;
	[tilespmem:s28+$0xFFFFFFD0] =	vst v13;
	v13 =	vld.idx.msk [tilespmem:v18+s4+$0x0], $0xffff  }
0x63: {  	v23 =	vsel vm4, $0x1, v0;
	[tilespmem:s28+$0xFFFFFFE0] =	vst v14;
	v14 =	vld.idx.msk [tilespmem:v17+s4+$0x0], $0xffff;
	v11 =	vadd.s32 v24, v11  }
0x64: {  	v10 =	vadd.s32 v23, v10;
	v24 =	vsel vm5, $0x1, v0;
	[tilespmem:s28+$0xFFFFFFF0] =	vst v11;
	v11 =	vld.idx.msk [tilespmem:v16+s4+$0x0], $0xffff  }
0x65: {  	v23 =	vsel vm6, $0x1, v0;
	[tilespmem:s28+$0x0] =	vst v10;
	v7 =	vadd.s32 v24, v7;
	v10 =	vld.idx.msk [tilespmem:v22+s4+$0x0], $0xffff;
	vm0 =	vge.f32 v9, v15  }
0x66: {  	v8 =	vadd.s32 v23, v8;
	[tilespmem:s28+$0x10] =	vst v7;
	vm1 =	vge.f32 v4, v12;
	v7 =	vld.idx.msk [tilespmem:v21+s4+$0x0], $0xffff;
	v4 =	vsel vm0, $0x1, v0  }
0x67: {  	[tilespmem:s28+$0x20] =	vst v8;
	vm0 =	vge.f32 v5, v13;
	v5 =	vsel vm1, $0x1, v0;
	v4 =	vadd.s32 v4, v20  }
0x68: {  	vm1 =	vge.f32 v6, v14;
	v6 =	vsel vm0, $0x1, v0;
	v5 =	vadd.s32 v5, v19;
	[tilespmem:s0+$0xFFFFFFC0] =	vst v4  }
0x69: {  	vm0 =	vge.f32 v3, v11;
	v3 =	vsel vm1, $0x1, v0;
	v4 =	vadd.s32 v6, v18;
	[tilespmem:s0+$0xFFFFFFD0] =	vst v5  }
0x6a: {  	vm1 =	vge.f32 v1, v10;
	v1 =	vsel vm0, $0x1, v0;
	v3 =	vadd.s32 v3, v17;
	[tilespmem:s0+$0xFFFFFFE0] =	vst v4  }
0x6b: {  	v1 =	vadd.s32 v1, v16;
	[tilespmem:s0+$0xFFFFFFF0] =	vst v3;
	vm0 =	vge.f32 v2, v7;
	v2 =	vsel vm1, $0x1, v0  }
0x6c: {  	[tilespmem:s0+$0x0] =	vst v1;
	v3 =	vsel vm0, $0x1, v0;
	v2 =	vadd.s32 v2, v22  }
0x6d: {  	v1 =	vadd.s32 v3, v21;
	[tilespmem:s0+$0x10] =	vst v2  }
0x6e: {  	[tilespmem:s0+$0x20] =	vst v1  }
0x6f: {  	[hbm4b:s9+s4] =	stream.linear.scatter [tilespmem:s21], [sflag:$0x3], $0x4000, $0x38;
	[tilespmem:$0x10080] =	vst v63  }
0x70: {  	_ = 	snop  }
0x71: {  	[tilespmem:s17], [sflag:$0x1] =	stream.linear.gather [hbm4b:s10+s4], $0x4000, $0x38;
	[tilespmem:$0x10080] =	vst v63  }
0x72: {  	_ =	swait.ge [sflag:s22], $0x4000  }
0x73: {  	[sflag:s22] =	ssyncset.done $0x0  }
0x74: {  	s30 =	simm.s32 $0x40C0;
	[sflag:s22] =	ssyncadd.s32 $0xFFFFC000  }
0x75: {  	v2 =	vld [tilespmem:s30+$0x30]  }
0x76: {  	v16 =	vld [tilespmem:s30+$0xFFFFFFD0]  }
0x77: {  	v17 =	vld [tilespmem:s30+$0xFFFFFFE0]  }
0x78: {  	v18 =	vld [tilespmem:s30+$0xFFFFFFF0]  }
0x79: {  	v19 =	vld [tilespmem:s30+$0x0]  }
0x7a: {  	v23 =	vld [tilespmem:s30+$0x10]  }
0x7b: {  	s31 =	simm.s32 $0x4140;
	v20 =	vld [tilespmem:s30+$0xFFFFFFC0]  }
0x7c: {  	v15 =	vld [tilespmem:s31+$0x30]  }
0x7d: {  	v1 =	vmul.f32 $5.166666510e+00, v2;
	v3 =	vmul.f32 $5.166666510e+00, v16  }
0x7e: {  	v4 =	vmul.f32 $5.166666510e+00, v17;
	v5 =	vmul.f32 $5.166666510e+00, v18  }
0x7f: {  	v6 =	vmul.f32 $5.166666510e+00, v19;
	v7 =	vmul.f32 $5.166666510e+00, v23;
	v1 =	vadd.f32 $1.550100040e+01, v1  }
0x80: {  	v8 =	vmul.f32 $5.166666510e+00, v20;
	v3 =	vadd.f32 $1.550100040e+01, v3;
	v4 =	vadd.f32 $1.550100040e+01, v4  }
0x81: {  	v24 =	vmul.f32 $5.166666510e+00, v15;
	v7 =	vadd.f32 $1.550100040e+01, v7;
	v1 =	vclamp.gez.f32 v1, $3.250000000e+01  }
0x82: {  	v25 =	vld [tilespmem:s30+$0x20];
	v8 =	vadd.f32 $1.550100040e+01, v8;
	v3 =	vclamp.gez.f32 v3, $3.250000000e+01;
	v4 =	vclamp.gez.f32 v4, $3.250000000e+01  }
0x83: {  	v7 =	vclamp.gez.f32 v7, $3.250000000e+01;
	v1 =	vtrunc.f32 v1  }
0x84: {  	v8 =	vclamp.gez.f32 v8, $3.250000000e+01;
	v21 =	vcvt.f32.s32 v1  }
0x85: {  	v3 =	vtrunc.f32 v3;
	v9 =	vtrunc.f32 v4  }
0x86: {  	v8 =	vtrunc.f32 v8;
	v7 =	vtrunc.f32 v7;
	v1 =	vadd.f32 $1.550100040e+01, v5  }
0x87: {  	v5 =	vadd.f32 $1.550100040e+01, v6;
	v6 =	vmul.f32 $5.166666510e+00, v25;
	v12 =	vcvt.f32.s32 v8  }
0x88: {  	v13 =	vcvt.f32.s32 v3;
	v14 =	vcvt.f32.s32 v9;
	v3 =	vld [tilespmem:s31+$0x0]  }
0x89: {  	v7 =	vcvt.f32.s32 v7;
	v9 =	vld [tilespmem:s31+$0xFFFFFFC0];
	v1 =	vclamp.gez.f32 v1, $3.250000000e+01;
	v6 =	vadd.f32 $1.550100040e+01, v6  }
0x8a: {  	v5 =	vclamp.gez.f32 v5, $3.250000000e+01;
	v1 =	vtrunc.f32 v1;
	v22 =	vld.idx.msk [tilespmem:v21+s4+$0x0], $0xffff  }
0x8b: {  	v24 =	vadd.f32 $1.550100040e+01, v24;
	v10 =	vtrunc.f32 v5;
	v5 =	vld [tilespmem:s31+$0xFFFFFFE0];
	v6 =	vclamp.gez.f32 v6, $3.250000000e+01  }
0x8c: {  	v11 =	vcvt.f32.s32 v1;
	v8 =	vtrunc.f32 v6;
	v6 =	vld [tilespmem:s31+$0xFFFFFFF0]  }
0x8d: {  	v24 =	vclamp.gez.f32 v24, $3.250000000e+01;
	v1 =	vld [tilespmem:s31+$0x10];
	v28 =	vmul.f32 $5.166666510e+00, v3  }
0x8e: {  	v4 =	vld [tilespmem:s31+$0xFFFFFFD0];
	v10 =	vcvt.f32.s32 v10;
	v34 =	vmul.f32 $5.166666510e+00, v9  }
0x8f: {  	v8 =	vcvt.f32.s32 v8;
	v29 =	vld.idx.msk [tilespmem:v12+s4+$0x0], $0xffff;
	v28 =	vadd.f32 $1.550100040e+01, v28;
	vm0 =	vge.f32 v2, v22  }
0x90: {  	v33 =	vld.idx.msk [tilespmem:v14+s4+$0x0], $0xffff;
	v34 =	vadd.f32 $1.550100040e+01, v34;
	v27 =	vmul.f32 $5.166666510e+00, v5;
	v26 =	vsel vm0, $0x1, v0  }
0x91: {  	v37 =	vld.idx.msk [tilespmem:v7+s4+$0x0], $0xffff;
	v28 =	vclamp.gez.f32 v28, $3.250000000e+01;
	v26 =	vadd.s32 v26, v21;
	v21 =	vmul.f32 $5.166666510e+00, v6  }
0x92: {  	v31 =	vmul.f32 $5.166666510e+00, v1;
	v27 =	vadd.f32 $1.550100040e+01, v27;
	v35 =	vld.idx.msk [tilespmem:v11+s4+$0x0], $0xffff;
	v28 =	vtrunc.f32 v28  }
0x93: {  	v22 =	vmul.f32 $5.166666510e+00, v4;
	v2 =	vld [tilespmem:s31+$0x20];
	v30 =	vadd.f32 $1.550100040e+01, v21;
	v21 =	vtrunc.f32 v24  }
0x94: {  	v36 =	vld.idx.msk [tilespmem:v10+s4+$0x0], $0xffff;
	v31 =	vadd.f32 $1.550100040e+01, v31;
	v27 =	vclamp.gez.f32 v27, $3.250000000e+01;
	v21 =	vcvt.f32.s32 v21  }
0x95: {  	vm0 =	vge.f32 v20, v29;
	v20 =	vclamp.gez.f32 v34, $3.250000000e+01;
	v22 =	vadd.f32 $1.550100040e+01, v22  }
0x96: {  	vm2 =	vge.f32 v17, v33;
	v31 =	vclamp.gez.f32 v31, $3.250000000e+01;
	v27 =	vtrunc.f32 v27;
	v24 =	vld.idx.msk [tilespmem:v13+s4+$0x0], $0xffff  }
0x97: {  	v22 =	vclamp.gez.f32 v22, $3.250000000e+01;
	vm3 =	vge.f32 v18, v35;
	v18 =	vcvt.f32.s32 v27  }
0x98: {  	vm5 =	vge.f32 v23, v37;
	v63 =	vld.idx.msk [tilespmem:v8+s4+$0x0], $0xffff;
	v32 =	vmul.f32 $5.166666510e+00, v2;
	v38 =	vtrunc.f32 v22  }
0x99: {  	vm4 =	vge.f32 v19, v36;
	v22 =	vtrunc.f32 v31;
	v30 =	vclamp.gez.f32 v30, $3.250000000e+01  }
0x9a: {  	v19 =	vcvt.f32.s32 v38;
	v32 =	vadd.f32 $1.550100040e+01, v32;
	v30 =	vtrunc.f32 v30;
	v23 =	vld.idx.msk [tilespmem:v21+s4+$0x0], $0xffff  }
0x9b: {  	v17 =	vcvt.f32.s32 v30;
	vm1 =	vge.f32 v16, v24;
	v16 =	vtrunc.f32 v20  }
0x9c: {  	s0 =	simm.s32 $0xC0C0;
	v32 =	vclamp.gez.f32 v32, $3.250000000e+01;
	v20 =	vcvt.f32.s32 v16  }
0x9d: {  	s1 =	simm.s32 $0x80;
	s6 =	simm.s32 $0x41C0;
	s28 =	simm.s32 $0xC0C0;
	[tilespmem:s0+$0x30] =	vst v26;
	vm6 =	vge.f32 v25, v63;
	v24 =	vtrunc.f32 v32;
	v16 =	vcvt.f32.s32 v28  }
.LBB2_4:
0x9e: {  	v25 =	vld [tilespmem:s6+$0x30];
	s1 =	sadd.s32 $0x80, s1;
	v22 =	vcvt.f32.s32 v22;
	v24 =	vcvt.f32.s32 v24;
	v26 =	vsel vm0, $0x1, v0  }
0x9f: {  	vm0 =	vge.f32 v15, v23;
	v15 =	vsel vm1, $0x1, v0;
	v23 =	vsel vm2, $0x1, v0;
	v27 =	vld [tilespmem:s6+$0xFFFFFFD0];
	p0 =	slt.u32 s1, $0x3F80  }
0xa0: {  	v30 =	vsel vm3, $0x1, v0;
	v31 =	vsel vm4, $0x1, v0;
	v29 =	vsel vm0, $0x1, v0;
	v28 =	vld [tilespmem:s6+$0xFFFFFFE0]  }
0xa1: {  	v33 =	vsel vm6, $0x1, v0;
	s0 =	sadd.s32 $0x80, s0;
	v21 =	vadd.s32 v29, v21;
	v29 =	vsel vm5, $0x1, v0;
	v32 =	vld [tilespmem:s6+$0xFFFFFFF0]  }
0xa2: {  	v12 =	vadd.s32 v26, v12;
	v13 =	vadd.s32 v15, v13;
	v14 =	vadd.s32 v23, v14;
	v34 =	vld [tilespmem:s6+$0x0];
	[tilespmem:s0+$0x30] =	vst v21  }
0xa3: {  	v11 =	vadd.s32 v30, v11;
	v23 =	vadd.s32 v31, v10;
	v26 =	vld [tilespmem:s6+$0x10];
	v21 =	vmul.f32 $5.166666510e+00, v25;
	[tilespmem:s28+$0xFFFFFFC0] =	vst v12;
	v15 =	vmovc v25  }
0xa4: {  	v30 =	vadd.s32 v33, v8;
	v29 =	vadd.s32 v29, v7;
	v7 =	vmovc v22;
	v35 =	vmul.f32 $5.166666510e+00, v27;
	v25 =	vld [tilespmem:s6+$0x20];
	[tilespmem:s28+$0xFFFFFFD0] =	vst v13  }
0xa5: {  	v8 =	vmovc v24;
	v12 =	vmovc v20;
	v13 =	vmov v19;
	v22 =	vld [tilespmem:s6+$0xFFFFFFC0];
	v31 =	vmul.f32 $5.166666510e+00, v28;
	v21 =	vadd.f32 $1.550100040e+01, v21;
	[tilespmem:s28+$0xFFFFFFE0] =	vst v14  }
0xa6: {  	v10 =	vmovc v16;
	v14 =	vmovc v18;
	v24 =	vadd.f32 $1.550100040e+01, v35;
	v33 =	vmul.f32 $5.166666510e+00, v32;
	v20 =	vld.idx.msk [tilespmem:v20+s4+$0x0], $0xffff;
	[tilespmem:s28+$0xFFFFFFF0] =	vst v11;
	v11 =	vmov v17  }
0xa7: {  	v31 =	vadd.f32 $1.550100040e+01, v31;
	v35 =	vmul.f32 $5.166666510e+00, v34;
	v21 =	vclamp.gez.f32 v21, $3.250000000e+01;
	v19 =	vld.idx.msk [tilespmem:v19+s4+$0x0], $0xffff;
	[tilespmem:s28+$0x0] =	vst v23  }
0xa8: {  	v23 =	vadd.f32 $1.550100040e+01, v33;
	v33 =	vmul.f32 $5.166666510e+00, v26;
	v21 =	vtrunc.f32 v21;
	v18 =	vld.idx.msk [tilespmem:v18+s4+$0x0], $0xffff;
	[tilespmem:s28+$0x10] =	vst v29  }
0xa9: {  	v29 =	vadd.f32 $1.550100040e+01, v35;
	v35 =	vmul.f32 $5.166666510e+00, v25;
	v21 =	vcvt.f32.s32 v21;
	v17 =	vld.idx.msk [tilespmem:v17+s4+$0x0], $0xffff;
	[tilespmem:s28+$0x20] =	vst v30;
	s28 =	smov.u32 s0  }
0xaa: {  	v24 =	vclamp.gez.f32 v24, $3.250000000e+01;
	v30 =	vmul.f32 $5.166666510e+00, v22;
	v33 =	vadd.f32 $1.550100040e+01, v33;
	v16 =	vld.idx.msk [tilespmem:v16+s4+$0x0], $0xffff  }
0xab: {  	v31 =	vclamp.gez.f32 v31, $3.250000000e+01;
	v23 =	vclamp.gez.f32 v23, $3.250000000e+01;
	v35 =	vadd.f32 $1.550100040e+01, v35;
	v36 =	vld.idx.msk [tilespmem:v7+s4+$0x0], $0xffff  }
0xac: {  	v29 =	vclamp.gez.f32 v29, $3.250000000e+01;
	v30 =	vadd.f32 $1.550100040e+01, v30;
	v33 =	vclamp.gez.f32 v33, $3.250000000e+01;
	v37 =	vld.idx.msk [tilespmem:v8+s4+$0x0], $0xffff  }
0xad: {  	v38 =	vtrunc.f32 v24;
	vm0 =	vge.f32 v9, v20;
	v9 =	vmovc v22;
	v24 =	vclamp.gez.f32 v35, $3.250000000e+01  }
0xae: {  	vm1 =	vge.f32 v4, v19;
	v4 =	vmovc v27;
	v20 =	vclamp.gez.f32 v30, $3.250000000e+01;
	v30 =	vtrunc.f32 v31  }
.Ltmp1:
0xaf: {  	v27 =	vtrunc.f32 v23;
	vm2 =	vge.f32 v5, v18;
	v5 =	vmovc v28;
	v19 =	vtrunc.f32 v20;
	v23 =	vld.idx.msk [tilespmem:v21+s4+$0x0], $0xffff;
	(pc) =	sbr.rel @p0 .LBB2_4-.Ltmp1, $4  }
0xb0: {  	v28 =	vtrunc.f32 v29;
	v22 =	vtrunc.f32 v33;
	vm3 =	vge.f32 v6, v17;
	v6 =	vmovc v32  }
0xb1: {  	v24 =	vtrunc.f32 v24;
	vm4 =	vge.f32 v3, v16;
	v3 =	vmovc v34;
	v20 =	vcvt.f32.s32 v19  }
0xb2: {  	v18 =	vcvt.f32.s32 v30;
	v19 =	vcvt.f32.s32 v38;
	vm5 =	vge.f32 v1, v36;
	v1 =	vmovc v26  }
0xb3: {  	s6 =	sadd.s32 $0x80, s6;
	v17 =	vcvt.f32.s32 v27;
	v16 =	vcvt.f32.s32 v28;
	vm6 =	vge.f32 v2, v37;
	v2 =	vmovc v25  }
0xb4: {  	_ =	sdelay $0x1  }
0xb5: {  	v45 =	vsel vm0, $0x1, v0  }
0xb6: {  	v22 =	vcvt.f32.s32 v22;
	v47 =	vsel vm1, $0x1, v0;
	v12 =	vadd.s32 v45, v12  }
0xb7: {  	v46 =	vcvt.f32.s32 v24;
	v48 =	vld.idx.msk [tilespmem:v20+s4+$0x0], $0xffff;
	v49 =	vsel vm2, $0x1, v0;
	v13 =	vadd.s32 v47, v13;
	[tilespmem:s28+$0xFFFFFFC0] =	vst v12  }
0xb8: {  	v50 =	vld.idx.msk [tilespmem:v19+s4+$0x0], $0xffff;
	v51 =	vsel vm3, $0x1, v0;
	v14 =	vadd.s32 v49, v14;
	[tilespmem:s28+$0xFFFFFFD0] =	vst v13  }
0xb9: {  	v52 =	vld.idx.msk [tilespmem:v18+s4+$0x0], $0xffff;
	v53 =	vsel vm4, $0x1, v0;
	v11 =	vadd.s32 v51, v11;
	[tilespmem:s28+$0xFFFFFFE0] =	vst v14  }
0xba: {  	v55 =	vsel vm5, $0x1, v0;
	v54 =	vld.idx.msk [tilespmem:v17+s4+$0x0], $0xffff;
	v10 =	vadd.s32 v53, v10;
	[tilespmem:s28+$0xFFFFFFF0] =	vst v11  }
0xbb: {  	vm7 =	vge.f32 v15, v23;
	v57 =	vsel vm6, $0x1, v0;
	v56 =	vld.idx.msk [tilespmem:v16+s4+$0x0], $0xffff;
	v7 =	vadd.s32 v55, v7;
	[tilespmem:s28+$0x0] =	vst v10  }
0xbc: {  	v15 =	vsel vm7, $0x1, v0;
	v8 =	vadd.s32 v57, v8;
	[tilespmem:s28+$0x10] =	vst v7;
	vm9 =	vge.f32 v9, v48;
	v58 =	vld.idx.msk [tilespmem:v22+s4+$0x0], $0xffff  }
0xbd: {  	s0 =	sadd.s32 $0x80, s0;
	v15 =	vadd.s32 v15, v21;
	[tilespmem:s28+$0x20] =	vst v8;
	vm10 =	vge.f32 v4, v50;
	v59 =	vld.idx.msk [tilespmem:v46+s4+$0x0], $0xffff;
	v60 =	vsel vm9, $0x1, v0  }
0xbe: {  	[tilespmem:s0+$0x30] =	vst v15;
	vm11 =	vge.f32 v5, v52;
	v61 =	vsel vm10, $0x1, v0;
	v4 =	vadd.s32 v60, v20  }
0xbf: {  	vm12 =	vge.f32 v6, v54;
	v62 =	vsel vm11, $0x1, v0;
	v5 =	vadd.s32 v61, v19;
	[tilespmem:s0+$0xFFFFFFC0] =	vst v4  }
0xc0: {  	vm13 =	vge.f32 v3, v56;
	v3 =	vsel vm12, $0x1, v0;
	v63 =	vadd.s32 v62, v18;
	[tilespmem:s0+$0xFFFFFFD0] =	vst v5  }
0xc1: {  	v3 =	vadd.s32 v3, v17;
	[tilespmem:s0+$0xFFFFFFE0] =	vst v63;
	vm14 =	vge.f32 v1, v58;
	v1 =	vsel vm13, $0x1, v0  }
0xc2: {  	[tilespmem:s0+$0xFFFFFFF0] =	vst v3;
	vm15 =	vge.f32 v2, v59;
	v2 =	vsel vm14, $0x1, v0;
	v1 =	vadd.s32 v1, v16  }
0xc3: {  	v3 =	vsel vm15, $0x1, v0;
	v2 =	vadd.s32 v2, v22;
	[tilespmem:s0+$0x0] =	vst v1  }
0xc4: {  	v1 =	vadd.s32 v3, v46;
	[tilespmem:s0+$0x10] =	vst v2  }
0xc5: {  	s28 =	simm.s32 $0x1;
	[tilespmem:s0+$0x20] =	vst v1  }
0xc6: {  	[hbm4b:s11+s4] =	stream.linear.scatter [tilespmem:s23], [sflag:$0x4], $0x4000, $0x38;
	[tilespmem:$0x10080] =	vst v63  }
.LBB2_6:
0xc7: {  	s30 =	sshll.u32 s28, $0xF  }
0xc8: {  	s0 =	sor.u32 s30, s5  }
0xc9: {  	s31 =	sshrl.u32 s0, $0x3  }
0xca: {  	s29 =	sor.u32 $0x800, s31  }
0xcb: {  	s1 =	sadd.s32 s2, s29  }
0xcc: {  	[tilespmem:s18], [sflag:$0x2] =	stream.linear.gather [hbm4b:s1+s4], $0x4000, $0x38;
	[tilespmem:$0x10080] =	vst v63  }
0xcd: {  	_ =	swait.ge [sflag:s20], $0x4000  }
0xce: {  	[sflag:s20] =	ssyncset.done $0x0  }
0xcf: {  	[sflag:s20] =	ssyncadd.s32 $0xFFFFC000  }
0xd0: {  	_ =	swait.ge [sflag:s24], $0x4000  }
0xd1: {  	[sflag:s24] =	ssyncset.done $0x0  }
0xd2: {  	s6 =	simm.s32 $0xC0;
	[sflag:s24] =	ssyncadd.s32 $0xFFFFC000  }
0xd3: {  	v2 =	vld [tilespmem:s6+$0x30]  }
0xd4: {  	v16 =	vld [tilespmem:s6+$0xFFFFFFD0]  }
0xd5: {  	v17 =	vld [tilespmem:s6+$0xFFFFFFE0]  }
0xd6: {  	v18 =	vld [tilespmem:s6+$0xFFFFFFF0]  }
0xd7: {  	v19 =	vld [tilespmem:s6+$0x0]  }
0xd8: {  	v23 =	vld [tilespmem:s6+$0x10]  }
0xd9: {  	s8 =	simm.s32 $0x140;
	v20 =	vld [tilespmem:s6+$0xFFFFFFC0]  }
0xda: {  	v15 =	vld [tilespmem:s8+$0x30]  }
0xdb: {  	v1 =	vmul.f32 $5.166666510e+00, v2;
	v3 =	vmul.f32 $5.166666510e+00, v16  }
0xdc: {  	v4 =	vmul.f32 $5.166666510e+00, v17;
	v5 =	vmul.f32 $5.166666510e+00, v18  }
0xdd: {  	v6 =	vmul.f32 $5.166666510e+00, v19;
	v7 =	vmul.f32 $5.166666510e+00, v23;
	v1 =	vadd.f32 $1.550100040e+01, v1  }
0xde: {  	v8 =	vmul.f32 $5.166666510e+00, v20;
	v3 =	vadd.f32 $1.550100040e+01, v3;
	v4 =	vadd.f32 $1.550100040e+01, v4  }
0xdf: {  	v24 =	vmul.f32 $5.166666510e+00, v15;
	v7 =	vadd.f32 $1.550100040e+01, v7;
	v1 =	vclamp.gez.f32 v1, $3.250000000e+01  }
0xe0: {  	v25 =	vld [tilespmem:s6+$0x20];
	v8 =	vadd.f32 $1.550100040e+01, v8;
	v3 =	vclamp.gez.f32 v3, $3.250000000e+01;
	v4 =	vclamp.gez.f32 v4, $3.250000000e+01  }
0xe1: {  	v7 =	vclamp.gez.f32 v7, $3.250000000e+01;
	v1 =	vtrunc.f32 v1  }
0xe2: {  	v8 =	vclamp.gez.f32 v8, $3.250000000e+01;
	v21 =	vcvt.f32.s32 v1  }
0xe3: {  	v3 =	vtrunc.f32 v3;
	v9 =	vtrunc.f32 v4  }
0xe4: {  	v8 =	vtrunc.f32 v8;
	v7 =	vtrunc.f32 v7;
	v1 =	vadd.f32 $1.550100040e+01, v5  }
0xe5: {  	v5 =	vadd.f32 $1.550100040e+01, v6;
	v6 =	vmul.f32 $5.166666510e+00, v25;
	v12 =	vcvt.f32.s32 v8  }
0xe6: {  	v13 =	vcvt.f32.s32 v3;
	v14 =	vcvt.f32.s32 v9;
	v3 =	vld [tilespmem:s8+$0x0]  }
0xe7: {  	v7 =	vcvt.f32.s32 v7;
	v9 =	vld [tilespmem:s8+$0xFFFFFFC0];
	v1 =	vclamp.gez.f32 v1, $3.250000000e+01;
	v6 =	vadd.f32 $1.550100040e+01, v6  }
0xe8: {  	v5 =	vclamp.gez.f32 v5, $3.250000000e+01;
	v1 =	vtrunc.f32 v1;
	v22 =	vld.idx.msk [tilespmem:v21+s4+$0x0], $0xffff  }
0xe9: {  	v24 =	vadd.f32 $1.550100040e+01, v24;
	v10 =	vtrunc.f32 v5;
	v5 =	vld [tilespmem:s8+$0xFFFFFFE0];
	v6 =	vclamp.gez.f32 v6, $3.250000000e+01  }
0xea: {  	v11 =	vcvt.f32.s32 v1;
	v8 =	vtrunc.f32 v6;
	v6 =	vld [tilespmem:s8+$0xFFFFFFF0]  }
0xeb: {  	v24 =	vclamp.gez.f32 v24, $3.250000000e+01;
	v1 =	vld [tilespmem:s8+$0x10];
	v28 =	vmul.f32 $5.166666510e+00, v3  }
0xec: {  	v4 =	vld [tilespmem:s8+$0xFFFFFFD0];
	v10 =	vcvt.f32.s32 v10;
	v34 =	vmul.f32 $5.166666510e+00, v9  }
0xed: {  	v8 =	vcvt.f32.s32 v8;
	v29 =	vld.idx.msk [tilespmem:v12+s4+$0x0], $0xffff;
	v28 =	vadd.f32 $1.550100040e+01, v28;
	vm0 =	vge.f32 v2, v22  }
0xee: {  	v33 =	vld.idx.msk [tilespmem:v14+s4+$0x0], $0xffff;
	v34 =	vadd.f32 $1.550100040e+01, v34;
	v27 =	vmul.f32 $5.166666510e+00, v5;
	v26 =	vsel vm0, $0x1, v0  }
0xef: {  	v37 =	vld.idx.msk [tilespmem:v7+s4+$0x0], $0xffff;
	v28 =	vclamp.gez.f32 v28, $3.250000000e+01;
	v26 =	vadd.s32 v26, v21;
	v21 =	vmul.f32 $5.166666510e+00, v6  }
0xf0: {  	v31 =	vmul.f32 $5.166666510e+00, v1;
	v27 =	vadd.f32 $1.550100040e+01, v27;
	v35 =	vld.idx.msk [tilespmem:v11+s4+$0x0], $0xffff;
	v28 =	vtrunc.f32 v28  }
0xf1: {  	v22 =	vmul.f32 $5.166666510e+00, v4;
	v2 =	vld [tilespmem:s8+$0x20];
	v30 =	vadd.f32 $1.550100040e+01, v21;
	v21 =	vtrunc.f32 v24  }
0xf2: {  	v36 =	vld.idx.msk [tilespmem:v10+s4+$0x0], $0xffff;
	v31 =	vadd.f32 $1.550100040e+01, v31;
	v27 =	vclamp.gez.f32 v27, $3.250000000e+01;
	v21 =	vcvt.f32.s32 v21  }
0xf3: {  	vm0 =	vge.f32 v20, v29;
	v20 =	vclamp.gez.f32 v34, $3.250000000e+01;
	v22 =	vadd.f32 $1.550100040e+01, v22  }
0xf4: {  	vm2 =	vge.f32 v17, v33;
	v31 =	vclamp.gez.f32 v31, $3.250000000e+01;
	v27 =	vtrunc.f32 v27;
	v24 =	vld.idx.msk [tilespmem:v13+s4+$0x0], $0xffff  }
0xf5: {  	v22 =	vclamp.gez.f32 v22, $3.250000000e+01;
	vm3 =	vge.f32 v18, v35;
	v18 =	vcvt.f32.s32 v27  }
0xf6: {  	vm5 =	vge.f32 v23, v37;
	v63 =	vld.idx.msk [tilespmem:v8+s4+$0x0], $0xffff;
	v32 =	vmul.f32 $5.166666510e+00, v2;
	v38 =	vtrunc.f32 v22  }
0xf7: {  	vm4 =	vge.f32 v19, v36;
	v22 =	vtrunc.f32 v31;
	v30 =	vclamp.gez.f32 v30, $3.250000000e+01  }
0xf8: {  	v19 =	vcvt.f32.s32 v38;
	v32 =	vadd.f32 $1.550100040e+01, v32;
	v30 =	vtrunc.f32 v30;
	v23 =	vld.idx.msk [tilespmem:v21+s4+$0x0], $0xffff  }
0xf9: {  	v17 =	vcvt.f32.s32 v30;
	vm1 =	vge.f32 v16, v24;
	v16 =	vtrunc.f32 v20  }
0xfa: {  	s1 =	simm.s32 $0x80C0;
	v32 =	vclamp.gez.f32 v32, $3.250000000e+01;
	v20 =	vcvt.f32.s32 v16  }
0xfb: {  	s0 =	simm.s32 $0x80C0;
	s6 =	simm.s32 $0x80;
	s8 =	simm.s32 $0x1C0;
	[tilespmem:s1+$0x30] =	vst v26;
	vm6 =	vge.f32 v25, v63;
	v24 =	vtrunc.f32 v32;
	v16 =	vcvt.f32.s32 v28  }
.LBB2_7:
0xfc: {  	v25 =	vld [tilespmem:s8+$0x30];
	s6 =	sadd.s32 $0x80, s6;
	v22 =	vcvt.f32.s32 v22;
	v24 =	vcvt.f32.s32 v24;
	v26 =	vsel vm0, $0x1, v0  }
0xfd: {  	vm0 =	vge.f32 v15, v23;
	v15 =	vsel vm1, $0x1, v0;
	v23 =	vsel vm2, $0x1, v0;
	v27 =	vld [tilespmem:s8+$0xFFFFFFD0];
	p0 =	slt.u32 s6, $0x3F80  }
0xfe: {  	v30 =	vsel vm3, $0x1, v0;
	v31 =	vsel vm4, $0x1, v0;
	v29 =	vsel vm0, $0x1, v0;
	v28 =	vld [tilespmem:s8+$0xFFFFFFE0]  }
0xff: {  	v33 =	vsel vm6, $0x1, v0;
	s1 =	sadd.s32 $0x80, s1;
	v21 =	vadd.s32 v29, v21;
	v29 =	vsel vm5, $0x1, v0;
	v32 =	vld [tilespmem:s8+$0xFFFFFFF0]  }
0x100: {  	v12 =	vadd.s32 v26, v12;
	v13 =	vadd.s32 v15, v13;
	v14 =	vadd.s32 v23, v14;
	v34 =	vld [tilespmem:s8+$0x0];
	[tilespmem:s1+$0x30] =	vst v21  }
0x101: {  	v11 =	vadd.s32 v30, v11;
	v23 =	vadd.s32 v31, v10;
	v26 =	vld [tilespmem:s8+$0x10];
	v21 =	vmul.f32 $5.166666510e+00, v25;
	[tilespmem:s0+$0xFFFFFFC0] =	vst v12;
	v15 =	vmovc v25  }
0x102: {  	v30 =	vadd.s32 v33, v8;
	v29 =	vadd.s32 v29, v7;
	v7 =	vmovc v22;
	v35 =	vmul.f32 $5.166666510e+00, v27;
	v25 =	vld [tilespmem:s8+$0x20];
	[tilespmem:s0+$0xFFFFFFD0] =	vst v13  }
0x103: {  	v8 =	vmovc v24;
	v12 =	vmovc v20;
	v13 =	vmov v19;
	v22 =	vld [tilespmem:s8+$0xFFFFFFC0];
	v31 =	vmul.f32 $5.166666510e+00, v28;
	v21 =	vadd.f32 $1.550100040e+01, v21;
	[tilespmem:s0+$0xFFFFFFE0] =	vst v14  }
0x104: {  	v10 =	vmovc v16;
	v14 =	vmovc v18;
	v24 =	vadd.f32 $1.550100040e+01, v35;
	v33 =	vmul.f32 $5.166666510e+00, v32;
	v20 =	vld.idx.msk [tilespmem:v20+s4+$0x0], $0xffff;
	[tilespmem:s0+$0xFFFFFFF0] =	vst v11;
	v11 =	vmov v17  }
0x105: {  	v31 =	vadd.f32 $1.550100040e+01, v31;
	v35 =	vmul.f32 $5.166666510e+00, v34;
	v21 =	vclamp.gez.f32 v21, $3.250000000e+01;
	v19 =	vld.idx.msk [tilespmem:v19+s4+$0x0], $0xffff;
	[tilespmem:s0+$0x0] =	vst v23  }
0x106: {  	v23 =	vadd.f32 $1.550100040e+01, v33;
	v33 =	vmul.f32 $5.166666510e+00, v26;
	v21 =	vtrunc.f32 v21;
	v18 =	vld.idx.msk [tilespmem:v18+s4+$0x0], $0xffff;
	[tilespmem:s0+$0x10] =	vst v29  }
0x107: {  	v29 =	vadd.f32 $1.550100040e+01, v35;
	v35 =	vmul.f32 $5.166666510e+00, v25;
	v21 =	vcvt.f32.s32 v21;
	v17 =	vld.idx.msk [tilespmem:v17+s4+$0x0], $0xffff;
	[tilespmem:s0+$0x20] =	vst v30;
	s0 =	smov.u32 s1  }
0x108: {  	v24 =	vclamp.gez.f32 v24, $3.250000000e+01;
	v30 =	vmul.f32 $5.166666510e+00, v22;
	v33 =	vadd.f32 $1.550100040e+01, v33;
	v16 =	vld.idx.msk [tilespmem:v16+s4+$0x0], $0xffff  }
0x109: {  	v31 =	vclamp.gez.f32 v31, $3.250000000e+01;
	v23 =	vclamp.gez.f32 v23, $3.250000000e+01;
	v35 =	vadd.f32 $1.550100040e+01, v35;
	v36 =	vld.idx.msk [tilespmem:v7+s4+$0x0], $0xffff  }
0x10a: {  	v29 =	vclamp.gez.f32 v29, $3.250000000e+01;
	v30 =	vadd.f32 $1.550100040e+01, v30;
	v33 =	vclamp.gez.f32 v33, $3.250000000e+01;
	v37 =	vld.idx.msk [tilespmem:v8+s4+$0x0], $0xffff  }
0x10b: {  	v38 =	vtrunc.f32 v24;
	vm0 =	vge.f32 v9, v20;
	v9 =	vmovc v22;
	v24 =	vclamp.gez.f32 v35, $3.250000000e+01  }
0x10c: {  	vm1 =	vge.f32 v4, v19;
	v4 =	vmovc v27;
	v20 =	vclamp.gez.f32 v30, $3.250000000e+01;
	v30 =	vtrunc.f32 v31  }
.Ltmp2:
0x10d: {  	v27 =	vtrunc.f32 v23;
	vm2 =	vge.f32 v5, v18;
	v5 =	vmovc v28;
	v19 =	vtrunc.f32 v20;
	v23 =	vld.idx.msk [tilespmem:v21+s4+$0x0], $0xffff;
	(pc) =	sbr.rel @p0 .LBB2_7-.Ltmp2, $4  }
0x10e: {  	v28 =	vtrunc.f32 v29;
	v22 =	vtrunc.f32 v33;
	vm3 =	vge.f32 v6, v17;
	v6 =	vmovc v32  }
0x10f: {  	v24 =	vtrunc.f32 v24;
	vm4 =	vge.f32 v3, v16;
	v3 =	vmovc v34;
	v20 =	vcvt.f32.s32 v19  }
0x110: {  	v18 =	vcvt.f32.s32 v30;
	v19 =	vcvt.f32.s32 v38;
	vm5 =	vge.f32 v1, v36;
	v1 =	vmovc v26  }
0x111: {  	s8 =	sadd.s32 $0x80, s8;
	v17 =	vcvt.f32.s32 v27;
	v16 =	vcvt.f32.s32 v28;
	vm6 =	vge.f32 v2, v37;
	v2 =	vmovc v25  }
0x112: {  	_ = 	snop  }
0x113: {  	vm7 =	vge.f32 v15, v23  }
0x114: {  	v15 =	vsel vm7, $0x1, v0  }
0x115: {  	v22 =	vcvt.f32.s32 v22;
	v23 =	vsel vm0, $0x1, v0;
	s1 =	sadd.s32 $0x80, s1;
	v15 =	vadd.s32 v15, v21  }
0x116: {  	v12 =	vadd.s32 v23, v12;
	v21 =	vcvt.f32.s32 v24;
	v24 =	vsel vm1, $0x1, v0;
	[tilespmem:s1+$0x30] =	vst v15;
	v15 =	vld.idx.msk [tilespmem:v20+s4+$0x0], $0xffff  }
0x117: {  	v23 =	vsel vm2, $0x1, v0;
	[tilespmem:s0+$0xFFFFFFC0] =	vst v12;
	v12 =	vld.idx.msk [tilespmem:v19+s4+$0x0], $0xffff;
	v13 =	vadd.s32 v24, v13  }
0x118: {  	v14 =	vadd.s32 v23, v14;
	v24 =	vsel vm3, $0x1, v0;
	[tilespmem:s0+$0xFFFFFFD0] =	vst v13;
	v13 =	vld.idx.msk [tilespmem:v18+s4+$0x0], $0xffff  }
0x119: {  	v23 =	vsel vm4, $0x1, v0;
	[tilespmem:s0+$0xFFFFFFE0] =	vst v14;
	v14 =	vld.idx.msk [tilespmem:v17+s4+$0x0], $0xffff;
	v11 =	vadd.s32 v24, v11  }
0x11a: {  	v10 =	vadd.s32 v23, v10;
	v24 =	vsel vm5, $0x1, v0;
	[tilespmem:s0+$0xFFFFFFF0] =	vst v11;
	v11 =	vld.idx.msk [tilespmem:v16+s4+$0x0], $0xffff  }
0x11b: {  	v23 =	vsel vm6, $0x1, v0;
	[tilespmem:s0+$0x0] =	vst v10;
	v7 =	vadd.s32 v24, v7;
	v10 =	vld.idx.msk [tilespmem:v22+s4+$0x0], $0xffff;
	vm0 =	vge.f32 v9, v15  }
0x11c: {  	v8 =	vadd.s32 v23, v8;
	[tilespmem:s0+$0x10] =	vst v7;
	vm1 =	vge.f32 v4, v12;
	v7 =	vld.idx.msk [tilespmem:v21+s4+$0x0], $0xffff;
	v4 =	vsel vm0, $0x1, v0  }
0x11d: {  	[tilespmem:s0+$0x20] =	vst v8;
	vm0 =	vge.f32 v5, v13;
	v5 =	vsel vm1, $0x1, v0;
	v4 =	vadd.s32 v4, v20  }
0x11e: {  	vm1 =	vge.f32 v6, v14;
	v6 =	vsel vm0, $0x1, v0;
	v5 =	vadd.s32 v5, v19;
	[tilespmem:s1+$0xFFFFFFC0] =	vst v4  }
0x11f: {  	vm0 =	vge.f32 v3, v11;
	v3 =	vsel vm1, $0x1, v0;
	v4 =	vadd.s32 v6, v18;
	[tilespmem:s1+$0xFFFFFFD0] =	vst v5  }
0x120: {  	vm1 =	vge.f32 v1, v10;
	v1 =	vsel vm0, $0x1, v0;
	v3 =	vadd.s32 v3, v17;
	[tilespmem:s1+$0xFFFFFFE0] =	vst v4  }
0x121: {  	v1 =	vadd.s32 v1, v16;
	[tilespmem:s1+$0xFFFFFFF0] =	vst v3;
	vm0 =	vge.f32 v2, v7;
	v2 =	vsel vm1, $0x1, v0  }
0x122: {  	[tilespmem:s1+$0x0] =	vst v1;
	v3 =	vsel vm0, $0x1, v0;
	v2 =	vadd.s32 v2, v22  }
0x123: {  	s8 =	sadd.s32 s30, s12;
	v1 =	vadd.s32 v3, v21;
	[tilespmem:s1+$0x10] =	vst v2  }
0x124: {  	s6 =	sadd.s32 s3, s31;
	s0 =	sshrl.u32 s8, $0x3;
	[tilespmem:s1+$0x20] =	vst v1  }
0x125: {  	[hbm4b:s6+s4] =	stream.linear.scatter [tilespmem:s21], [sflag:$0x3], $0x4000, $0x38;
	[tilespmem:$0x10080] =	vst v63  }
0x126: {  	s0 =	sadd.s32 s2, s0  }
0x127: {  	[tilespmem:s17], [sflag:$0x1] =	stream.linear.gather [hbm4b:s0+s4], $0x4000, $0x38;
	[tilespmem:$0x10080] =	vst v63  }
0x128: {  	_ =	swait.ge [sflag:s22], $0x4000  }
0x129: {  	[sflag:s22] =	ssyncset.done $0x0  }
0x12a: {  	[sflag:s22] =	ssyncadd.s32 $0xFFFFC000  }
0x12b: {  	_ =	swait.ge [sflag:s25], $0x4000  }
0x12c: {  	[sflag:s25] =	ssyncset.done $0x0  }
0x12d: {  	s30 =	simm.s32 $0x40C0;
	[sflag:s25] =	ssyncadd.s32 $0xFFFFC000  }
0x12e: {  	v2 =	vld [tilespmem:s30+$0x30]  }
0x12f: {  	v16 =	vld [tilespmem:s30+$0xFFFFFFD0]  }
0x130: {  	v17 =	vld [tilespmem:s30+$0xFFFFFFE0]  }
0x131: {  	v18 =	vld [tilespmem:s30+$0xFFFFFFF0]  }
0x132: {  	v19 =	vld [tilespmem:s30+$0x0]  }
0x133: {  	v23 =	vld [tilespmem:s30+$0x10]  }
0x134: {  	s31 =	simm.s32 $0x4140;
	v20 =	vld [tilespmem:s30+$0xFFFFFFC0]  }
0x135: {  	v15 =	vld [tilespmem:s31+$0x30]  }
0x136: {  	v1 =	vmul.f32 $5.166666510e+00, v2;
	v3 =	vmul.f32 $5.166666510e+00, v16  }
0x137: {  	v4 =	vmul.f32 $5.166666510e+00, v17;
	v5 =	vmul.f32 $5.166666510e+00, v18  }
0x138: {  	v6 =	vmul.f32 $5.166666510e+00, v19;
	v7 =	vmul.f32 $5.166666510e+00, v23;
	v1 =	vadd.f32 $1.550100040e+01, v1  }
0x139: {  	v8 =	vmul.f32 $5.166666510e+00, v20;
	v3 =	vadd.f32 $1.550100040e+01, v3;
	v4 =	vadd.f32 $1.550100040e+01, v4  }
0x13a: {  	v24 =	vmul.f32 $5.166666510e+00, v15;
	v7 =	vadd.f32 $1.550100040e+01, v7;
	v1 =	vclamp.gez.f32 v1, $3.250000000e+01  }
0x13b: {  	v25 =	vld [tilespmem:s30+$0x20];
	v8 =	vadd.f32 $1.550100040e+01, v8;
	v3 =	vclamp.gez.f32 v3, $3.250000000e+01;
	v4 =	vclamp.gez.f32 v4, $3.250000000e+01  }
0x13c: {  	v7 =	vclamp.gez.f32 v7, $3.250000000e+01;
	v1 =	vtrunc.f32 v1  }
0x13d: {  	v8 =	vclamp.gez.f32 v8, $3.250000000e+01;
	v21 =	vcvt.f32.s32 v1  }
0x13e: {  	v3 =	vtrunc.f32 v3;
	v9 =	vtrunc.f32 v4  }
0x13f: {  	v8 =	vtrunc.f32 v8;
	v7 =	vtrunc.f32 v7;
	v1 =	vadd.f32 $1.550100040e+01, v5  }
0x140: {  	v5 =	vadd.f32 $1.550100040e+01, v6;
	v6 =	vmul.f32 $5.166666510e+00, v25;
	v12 =	vcvt.f32.s32 v8  }
0x141: {  	v13 =	vcvt.f32.s32 v3;
	v14 =	vcvt.f32.s32 v9;
	v3 =	vld [tilespmem:s31+$0x0]  }
0x142: {  	v7 =	vcvt.f32.s32 v7;
	v9 =	vld [tilespmem:s31+$0xFFFFFFC0];
	v1 =	vclamp.gez.f32 v1, $3.250000000e+01;
	v6 =	vadd.f32 $1.550100040e+01, v6  }
0x143: {  	v5 =	vclamp.gez.f32 v5, $3.250000000e+01;
	v1 =	vtrunc.f32 v1;
	v22 =	vld.idx.msk [tilespmem:v21+s4+$0x0], $0xffff  }
0x144: {  	v24 =	vadd.f32 $1.550100040e+01, v24;
	v10 =	vtrunc.f32 v5;
	v5 =	vld [tilespmem:s31+$0xFFFFFFE0];
	v6 =	vclamp.gez.f32 v6, $3.250000000e+01  }
0x145: {  	v11 =	vcvt.f32.s32 v1;
	v8 =	vtrunc.f32 v6;
	v6 =	vld [tilespmem:s31+$0xFFFFFFF0]  }
0x146: {  	v24 =	vclamp.gez.f32 v24, $3.250000000e+01;
	v1 =	vld [tilespmem:s31+$0x10];
	v28 =	vmul.f32 $5.166666510e+00, v3  }
0x147: {  	v4 =	vld [tilespmem:s31+$0xFFFFFFD0];
	v10 =	vcvt.f32.s32 v10;
	v34 =	vmul.f32 $5.166666510e+00, v9  }
0x148: {  	v8 =	vcvt.f32.s32 v8;
	v29 =	vld.idx.msk [tilespmem:v12+s4+$0x0], $0xffff;
	v28 =	vadd.f32 $1.550100040e+01, v28;
	vm0 =	vge.f32 v2, v22  }
0x149: {  	v33 =	vld.idx.msk [tilespmem:v14+s4+$0x0], $0xffff;
	v34 =	vadd.f32 $1.550100040e+01, v34;
	v27 =	vmul.f32 $5.166666510e+00, v5;
	v26 =	vsel vm0, $0x1, v0  }
0x14a: {  	v37 =	vld.idx.msk [tilespmem:v7+s4+$0x0], $0xffff;
	v28 =	vclamp.gez.f32 v28, $3.250000000e+01;
	v26 =	vadd.s32 v26, v21;
	v21 =	vmul.f32 $5.166666510e+00, v6  }
0x14b: {  	v31 =	vmul.f32 $5.166666510e+00, v1;
	v27 =	vadd.f32 $1.550100040e+01, v27;
	v35 =	vld.idx.msk [tilespmem:v11+s4+$0x0], $0xffff;
	v28 =	vtrunc.f32 v28  }
0x14c: {  	v22 =	vmul.f32 $5.166666510e+00, v4;
	v2 =	vld [tilespmem:s31+$0x20];
	v30 =	vadd.f32 $1.550100040e+01, v21;
	v21 =	vtrunc.f32 v24  }
0x14d: {  	v36 =	vld.idx.msk [tilespmem:v10+s4+$0x0], $0xffff;
	v31 =	vadd.f32 $1.550100040e+01, v31;
	v27 =	vclamp.gez.f32 v27, $3.250000000e+01;
	v21 =	vcvt.f32.s32 v21  }
0x14e: {  	vm0 =	vge.f32 v20, v29;
	v20 =	vclamp.gez.f32 v34, $3.250000000e+01;
	v22 =	vadd.f32 $1.550100040e+01, v22  }
0x14f: {  	vm2 =	vge.f32 v17, v33;
	v31 =	vclamp.gez.f32 v31, $3.250000000e+01;
	v27 =	vtrunc.f32 v27;
	v24 =	vld.idx.msk [tilespmem:v13+s4+$0x0], $0xffff  }
0x150: {  	v22 =	vclamp.gez.f32 v22, $3.250000000e+01;
	vm3 =	vge.f32 v18, v35;
	v18 =	vcvt.f32.s32 v27  }
0x151: {  	vm5 =	vge.f32 v23, v37;
	v63 =	vld.idx.msk [tilespmem:v8+s4+$0x0], $0xffff;
	v32 =	vmul.f32 $5.166666510e+00, v2;
	v38 =	vtrunc.f32 v22  }
0x152: {  	vm4 =	vge.f32 v19, v36;
	v22 =	vtrunc.f32 v31;
	v30 =	vclamp.gez.f32 v30, $3.250000000e+01  }
0x153: {  	v19 =	vcvt.f32.s32 v38;
	v32 =	vadd.f32 $1.550100040e+01, v32;
	v30 =	vtrunc.f32 v30;
	v23 =	vld.idx.msk [tilespmem:v21+s4+$0x0], $0xffff  }
0x154: {  	v17 =	vcvt.f32.s32 v30;
	vm1 =	vge.f32 v16, v24;
	v16 =	vtrunc.f32 v20  }
0x155: {  	s1 =	simm.s32 $0xC0C0;
	v32 =	vclamp.gez.f32 v32, $3.250000000e+01;
	v20 =	vcvt.f32.s32 v16  }
0x156: {  	s8 =	simm.s32 $0x41C0;
	s6 =	simm.s32 $0x80;
	s0 =	simm.s32 $0xC0C0;
	[tilespmem:s1+$0x30] =	vst v26;
	vm6 =	vge.f32 v25, v63;
	v24 =	vtrunc.f32 v32;
	v16 =	vcvt.f32.s32 v28  }
.LBB2_9:
0x157: {  	v25 =	vld [tilespmem:s8+$0x30];
	s6 =	sadd.s32 $0x80, s6;
	v22 =	vcvt.f32.s32 v22;
	v24 =	vcvt.f32.s32 v24;
	v26 =	vsel vm0, $0x1, v0  }
0x158: {  	vm0 =	vge.f32 v15, v23;
	v15 =	vsel vm1, $0x1, v0;
	v23 =	vsel vm2, $0x1, v0;
	v27 =	vld [tilespmem:s8+$0xFFFFFFD0];
	p0 =	slt.u32 s6, $0x3F80  }
0x159: {  	v30 =	vsel vm3, $0x1, v0;
	v31 =	vsel vm4, $0x1, v0;
	v29 =	vsel vm0, $0x1, v0;
	v28 =	vld [tilespmem:s8+$0xFFFFFFE0]  }
0x15a: {  	v33 =	vsel vm6, $0x1, v0;
	s1 =	sadd.s32 $0x80, s1;
	v21 =	vadd.s32 v29, v21;
	v29 =	vsel vm5, $0x1, v0;
	v32 =	vld [tilespmem:s8+$0xFFFFFFF0]  }
0x15b: {  	v12 =	vadd.s32 v26, v12;
	v13 =	vadd.s32 v15, v13;
	v14 =	vadd.s32 v23, v14;
	v34 =	vld [tilespmem:s8+$0x0];
	[tilespmem:s1+$0x30] =	vst v21  }
0x15c: {  	v11 =	vadd.s32 v30, v11;
	v23 =	vadd.s32 v31, v10;
	v26 =	vld [tilespmem:s8+$0x10];
	v21 =	vmul.f32 $5.166666510e+00, v25;
	[tilespmem:s0+$0xFFFFFFC0] =	vst v12;
	v15 =	vmovc v25  }
0x15d: {  	v30 =	vadd.s32 v33, v8;
	v29 =	vadd.s32 v29, v7;
	v7 =	vmovc v22;
	v35 =	vmul.f32 $5.166666510e+00, v27;
	v25 =	vld [tilespmem:s8+$0x20];
	[tilespmem:s0+$0xFFFFFFD0] =	vst v13  }
0x15e: {  	v8 =	vmovc v24;
	v12 =	vmovc v20;
	v13 =	vmov v19;
	v22 =	vld [tilespmem:s8+$0xFFFFFFC0];
	v31 =	vmul.f32 $5.166666510e+00, v28;
	v21 =	vadd.f32 $1.550100040e+01, v21;
	[tilespmem:s0+$0xFFFFFFE0] =	vst v14  }
0x15f: {  	v10 =	vmovc v16;
	v14 =	vmovc v18;
	v24 =	vadd.f32 $1.550100040e+01, v35;
	v33 =	vmul.f32 $5.166666510e+00, v32;
	v20 =	vld.idx.msk [tilespmem:v20+s4+$0x0], $0xffff;
	[tilespmem:s0+$0xFFFFFFF0] =	vst v11;
	v11 =	vmov v17  }
0x160: {  	v31 =	vadd.f32 $1.550100040e+01, v31;
	v35 =	vmul.f32 $5.166666510e+00, v34;
	v21 =	vclamp.gez.f32 v21, $3.250000000e+01;
	v19 =	vld.idx.msk [tilespmem:v19+s4+$0x0], $0xffff;
	[tilespmem:s0+$0x0] =	vst v23  }
0x161: {  	v23 =	vadd.f32 $1.550100040e+01, v33;
	v33 =	vmul.f32 $5.166666510e+00, v26;
	v21 =	vtrunc.f32 v21;
	v18 =	vld.idx.msk [tilespmem:v18+s4+$0x0], $0xffff;
	[tilespmem:s0+$0x10] =	vst v29  }
0x162: {  	v29 =	vadd.f32 $1.550100040e+01, v35;
	v35 =	vmul.f32 $5.166666510e+00, v25;
	v21 =	vcvt.f32.s32 v21;
	v17 =	vld.idx.msk [tilespmem:v17+s4+$0x0], $0xffff;
	[tilespmem:s0+$0x20] =	vst v30;
	s0 =	smov.u32 s1  }
0x163: {  	v24 =	vclamp.gez.f32 v24, $3.250000000e+01;
	v30 =	vmul.f32 $5.166666510e+00, v22;
	v33 =	vadd.f32 $1.550100040e+01, v33;
	v16 =	vld.idx.msk [tilespmem:v16+s4+$0x0], $0xffff  }
0x164: {  	v31 =	vclamp.gez.f32 v31, $3.250000000e+01;
	v23 =	vclamp.gez.f32 v23, $3.250000000e+01;
	v35 =	vadd.f32 $1.550100040e+01, v35;
	v36 =	vld.idx.msk [tilespmem:v7+s4+$0x0], $0xffff  }
0x165: {  	v29 =	vclamp.gez.f32 v29, $3.250000000e+01;
	v30 =	vadd.f32 $1.550100040e+01, v30;
	v33 =	vclamp.gez.f32 v33, $3.250000000e+01;
	v37 =	vld.idx.msk [tilespmem:v8+s4+$0x0], $0xffff  }
0x166: {  	v38 =	vtrunc.f32 v24;
	vm0 =	vge.f32 v9, v20;
	v9 =	vmovc v22;
	v24 =	vclamp.gez.f32 v35, $3.250000000e+01  }
0x167: {  	vm1 =	vge.f32 v4, v19;
	v4 =	vmovc v27;
	v20 =	vclamp.gez.f32 v30, $3.250000000e+01;
	v30 =	vtrunc.f32 v31  }
.Ltmp3:
0x168: {  	v27 =	vtrunc.f32 v23;
	vm2 =	vge.f32 v5, v18;
	v5 =	vmovc v28;
	v19 =	vtrunc.f32 v20;
	v23 =	vld.idx.msk [tilespmem:v21+s4+$0x0], $0xffff;
	(pc) =	sbr.rel @p0 .LBB2_9-.Ltmp3, $4  }
0x169: {  	v28 =	vtrunc.f32 v29;
	v22 =	vtrunc.f32 v33;
	vm3 =	vge.f32 v6, v17;
	v6 =	vmovc v32  }
0x16a: {  	v24 =	vtrunc.f32 v24;
	vm4 =	vge.f32 v3, v16;
	v3 =	vmovc v34;
	v20 =	vcvt.f32.s32 v19  }
0x16b: {  	v18 =	vcvt.f32.s32 v30;
	v19 =	vcvt.f32.s32 v38;
	vm5 =	vge.f32 v1, v36;
	v1 =	vmovc v26  }
0x16c: {  	s8 =	sadd.s32 $0x80, s8;
	v17 =	vcvt.f32.s32 v27;
	v16 =	vcvt.f32.s32 v28;
	vm6 =	vge.f32 v2, v37;
	v2 =	vmovc v25  }
0x16d: {  	_ =	sdelay $0x1  }
0x16e: {  	v45 =	vsel vm0, $0x1, v0  }
0x16f: {  	v22 =	vcvt.f32.s32 v22;
	v47 =	vsel vm1, $0x1, v0;
	v12 =	vadd.s32 v45, v12  }
0x170: {  	v46 =	vcvt.f32.s32 v24;
	v48 =	vld.idx.msk [tilespmem:v20+s4+$0x0], $0xffff;
	v49 =	vsel vm2, $0x1, v0;
	v13 =	vadd.s32 v47, v13;
	[tilespmem:s0+$0xFFFFFFC0] =	vst v12  }
0x171: {  	v50 =	vld.idx.msk [tilespmem:v19+s4+$0x0], $0xffff;
	v51 =	vsel vm3, $0x1, v0;
	v14 =	vadd.s32 v49, v14;
	[tilespmem:s0+$0xFFFFFFD0] =	vst v13  }
0x172: {  	v52 =	vld.idx.msk [tilespmem:v18+s4+$0x0], $0xffff;
	v53 =	vsel vm4, $0x1, v0;
	v11 =	vadd.s32 v51, v11;
	[tilespmem:s0+$0xFFFFFFE0] =	vst v14  }
0x173: {  	v55 =	vsel vm5, $0x1, v0;
	v54 =	vld.idx.msk [tilespmem:v17+s4+$0x0], $0xffff;
	v10 =	vadd.s32 v53, v10;
	[tilespmem:s0+$0xFFFFFFF0] =	vst v11  }
0x174: {  	vm7 =	vge.f32 v15, v23;
	v57 =	vsel vm6, $0x1, v0;
	v56 =	vld.idx.msk [tilespmem:v16+s4+$0x0], $0xffff;
	v7 =	vadd.s32 v55, v7;
	[tilespmem:s0+$0x0] =	vst v10  }
0x175: {  	v15 =	vsel vm7, $0x1, v0;
	v8 =	vadd.s32 v57, v8;
	[tilespmem:s0+$0x10] =	vst v7;
	vm9 =	vge.f32 v9, v48;
	v58 =	vld.idx.msk [tilespmem:v22+s4+$0x0], $0xffff  }
0x176: {  	s1 =	sadd.s32 $0x80, s1;
	v15 =	vadd.s32 v15, v21;
	[tilespmem:s0+$0x20] =	vst v8;
	vm10 =	vge.f32 v4, v50;
	v59 =	vld.idx.msk [tilespmem:v46+s4+$0x0], $0xffff;
	v60 =	vsel vm9, $0x1, v0  }
0x177: {  	[tilespmem:s1+$0x30] =	vst v15;
	vm11 =	vge.f32 v5, v52;
	v61 =	vsel vm10, $0x1, v0;
	v4 =	vadd.s32 v60, v20  }
0x178: {  	vm12 =	vge.f32 v6, v54;
	v62 =	vsel vm11, $0x1, v0;
	v5 =	vadd.s32 v61, v19;
	[tilespmem:s1+$0xFFFFFFC0] =	vst v4  }
0x179: {  	s28 =	sadd.s32 $0x1, s28;
	vm13 =	vge.f32 v3, v56;
	v3 =	vsel vm12, $0x1, v0;
	v63 =	vadd.s32 v62, v18;
	[tilespmem:s1+$0xFFFFFFD0] =	vst v5  }
0x17a: {  	p0 =	sne.s32 s28, $0xF;
	v3 =	vadd.s32 v3, v17;
	[tilespmem:s1+$0xFFFFFFE0] =	vst v63;
	vm14 =	vge.f32 v1, v58;
	v1 =	vsel vm13, $0x1, v0  }
.Ltmp4:
0x17b: {  	[tilespmem:s1+$0xFFFFFFF0] =	vst v3;
	vm15 =	vge.f32 v2, v59;
	v2 =	vsel vm14, $0x1, v0;
	v1 =	vadd.s32 v1, v16;
	(pc) =	sbr.rel @p0 .LBB2_6-.Ltmp4, $4  }
0x17c: {  	v3 =	vsel vm15, $0x1, v0;
	v2 =	vadd.s32 v2, v22;
	[tilespmem:s1+$0x0] =	vst v1  }
0x17d: {  	v1 =	vadd.s32 v3, v46;
	[tilespmem:s1+$0x10] =	vst v2  }
0x17e: {  	s31 =	sadd.s32 s3, s29;
	[tilespmem:s1+$0x20] =	vst v1  }
0x17f: {  	[hbm4b:s31+s4] =	stream.linear.scatter [tilespmem:s23], [sflag:$0x4], $0x4000, $0x38;
	[tilespmem:$0x10080] =	vst v63  }
0x180: {  	[tilespmem:s18], [sflag:$0x2] =	stream.linear.gather [hbm4b:s13+s4], $0x4000, $0x38;
	[tilespmem:$0x10080] =	vst v63  }
0x181: {  	_ =	swait.ge [sflag:s20], $0x4000  }
0x182: {  	[sflag:s20] =	ssyncset.done $0x0  }
0x183: {  	[sflag:s20] =	ssyncadd.s32 $0xFFFFC000  }
0x184: {  	_ =	swait.ge [sflag:s24], $0x4000  }
0x185: {  	[sflag:s24] =	ssyncset.done $0x0  }
0x186: {  	s0 =	simm.s32 $0xC0;
	[sflag:s24] =	ssyncadd.s32 $0xFFFFC000  }
0x187: {  	v2 =	vld [tilespmem:s0+$0x30]  }
0x188: {  	v16 =	vld [tilespmem:s0+$0xFFFFFFD0]  }
0x189: {  	v17 =	vld [tilespmem:s0+$0xFFFFFFE0]  }
0x18a: {  	v18 =	vld [tilespmem:s0+$0xFFFFFFF0]  }
0x18b: {  	v19 =	vld [tilespmem:s0+$0x0]  }
0x18c: {  	v23 =	vld [tilespmem:s0+$0x10]  }
0x18d: {  	s31 =	simm.s32 $0x140;
	v20 =	vld [tilespmem:s0+$0xFFFFFFC0]  }
0x18e: {  	v15 =	vld [tilespmem:s31+$0x30]  }
0x18f: {  	v1 =	vmul.f32 $5.166666510e+00, v2;
	v3 =	vmul.f32 $5.166666510e+00, v16  }
0x190: {  	v4 =	vmul.f32 $5.166666510e+00, v17;
	v5 =	vmul.f32 $5.166666510e+00, v18  }
0x191: {  	v6 =	vmul.f32 $5.166666510e+00, v19;
	v7 =	vmul.f32 $5.166666510e+00, v23;
	v1 =	vadd.f32 $1.550100040e+01, v1  }
0x192: {  	v8 =	vmul.f32 $5.166666510e+00, v20;
	v3 =	vadd.f32 $1.550100040e+01, v3;
	v4 =	vadd.f32 $1.550100040e+01, v4  }
0x193: {  	v24 =	vmul.f32 $5.166666510e+00, v15;
	v7 =	vadd.f32 $1.550100040e+01, v7;
	v1 =	vclamp.gez.f32 v1, $3.250000000e+01  }
0x194: {  	v25 =	vld [tilespmem:s0+$0x20];
	v8 =	vadd.f32 $1.550100040e+01, v8;
	v3 =	vclamp.gez.f32 v3, $3.250000000e+01;
	v4 =	vclamp.gez.f32 v4, $3.250000000e+01  }
0x195: {  	v7 =	vclamp.gez.f32 v7, $3.250000000e+01;
	v1 =	vtrunc.f32 v1  }
0x196: {  	v8 =	vclamp.gez.f32 v8, $3.250000000e+01;
	v21 =	vcvt.f32.s32 v1  }
0x197: {  	v3 =	vtrunc.f32 v3;
	v9 =	vtrunc.f32 v4  }
0x198: {  	v8 =	vtrunc.f32 v8;
	v7 =	vtrunc.f32 v7;
	v1 =	vadd.f32 $1.550100040e+01, v5  }
0x199: {  	v5 =	vadd.f32 $1.550100040e+01, v6;
	v6 =	vmul.f32 $5.166666510e+00, v25;
	v12 =	vcvt.f32.s32 v8  }
0x19a: {  	v13 =	vcvt.f32.s32 v3;
	v14 =	vcvt.f32.s32 v9;
	v3 =	vld [tilespmem:s31+$0x0]  }
0x19b: {  	v7 =	vcvt.f32.s32 v7;
	v9 =	vld [tilespmem:s31+$0xFFFFFFC0];
	v1 =	vclamp.gez.f32 v1, $3.250000000e+01;
	v6 =	vadd.f32 $1.550100040e+01, v6  }
0x19c: {  	v5 =	vclamp.gez.f32 v5, $3.250000000e+01;
	v1 =	vtrunc.f32 v1;
	v22 =	vld.idx.msk [tilespmem:v21+s4+$0x0], $0xffff  }
0x19d: {  	v24 =	vadd.f32 $1.550100040e+01, v24;
	v10 =	vtrunc.f32 v5;
	v5 =	vld [tilespmem:s31+$0xFFFFFFE0];
	v6 =	vclamp.gez.f32 v6, $3.250000000e+01  }
0x19e: {  	v11 =	vcvt.f32.s32 v1;
	v8 =	vtrunc.f32 v6;
	v6 =	vld [tilespmem:s31+$0xFFFFFFF0]  }
0x19f: {  	v24 =	vclamp.gez.f32 v24, $3.250000000e+01;
	v1 =	vld [tilespmem:s31+$0x10];
	v28 =	vmul.f32 $5.166666510e+00, v3  }
0x1a0: {  	v4 =	vld [tilespmem:s31+$0xFFFFFFD0];
	v10 =	vcvt.f32.s32 v10;
	v34 =	vmul.f32 $5.166666510e+00, v9  }
0x1a1: {  	v8 =	vcvt.f32.s32 v8;
	v29 =	vld.idx.msk [tilespmem:v12+s4+$0x0], $0xffff;
	v28 =	vadd.f32 $1.550100040e+01, v28;
	vm0 =	vge.f32 v2, v22  }
0x1a2: {  	v33 =	vld.idx.msk [tilespmem:v14+s4+$0x0], $0xffff;
	v34 =	vadd.f32 $1.550100040e+01, v34;
	v27 =	vmul.f32 $5.166666510e+00, v5;
	v26 =	vsel vm0, $0x1, v0  }
0x1a3: {  	v37 =	vld.idx.msk [tilespmem:v7+s4+$0x0], $0xffff;
	v28 =	vclamp.gez.f32 v28, $3.250000000e+01;
	v26 =	vadd.s32 v26, v21;
	v21 =	vmul.f32 $5.166666510e+00, v6  }
0x1a4: {  	v31 =	vmul.f32 $5.166666510e+00, v1;
	v27 =	vadd.f32 $1.550100040e+01, v27;
	v35 =	vld.idx.msk [tilespmem:v11+s4+$0x0], $0xffff;
	v28 =	vtrunc.f32 v28  }
0x1a5: {  	v22 =	vmul.f32 $5.166666510e+00, v4;
	v2 =	vld [tilespmem:s31+$0x20];
	v30 =	vadd.f32 $1.550100040e+01, v21;
	v21 =	vtrunc.f32 v24  }
0x1a6: {  	v36 =	vld.idx.msk [tilespmem:v10+s4+$0x0], $0xffff;
	v31 =	vadd.f32 $1.550100040e+01, v31;
	v27 =	vclamp.gez.f32 v27, $3.250000000e+01;
	v21 =	vcvt.f32.s32 v21  }
0x1a7: {  	vm0 =	vge.f32 v20, v29;
	v20 =	vclamp.gez.f32 v34, $3.250000000e+01;
	v22 =	vadd.f32 $1.550100040e+01, v22  }
0x1a8: {  	vm2 =	vge.f32 v17, v33;
	v31 =	vclamp.gez.f32 v31, $3.250000000e+01;
	v27 =	vtrunc.f32 v27;
	v24 =	vld.idx.msk [tilespmem:v13+s4+$0x0], $0xffff  }
0x1a9: {  	v22 =	vclamp.gez.f32 v22, $3.250000000e+01;
	vm3 =	vge.f32 v18, v35;
	v18 =	vcvt.f32.s32 v27  }
0x1aa: {  	vm5 =	vge.f32 v23, v37;
	v63 =	vld.idx.msk [tilespmem:v8+s4+$0x0], $0xffff;
	v32 =	vmul.f32 $5.166666510e+00, v2;
	v38 =	vtrunc.f32 v22  }
0x1ab: {  	vm4 =	vge.f32 v19, v36;
	v22 =	vtrunc.f32 v31;
	v30 =	vclamp.gez.f32 v30, $3.250000000e+01  }
0x1ac: {  	v19 =	vcvt.f32.s32 v38;
	v32 =	vadd.f32 $1.550100040e+01, v32;
	v30 =	vtrunc.f32 v30;
	v23 =	vld.idx.msk [tilespmem:v21+s4+$0x0], $0xffff  }
0x1ad: {  	v17 =	vcvt.f32.s32 v30;
	vm1 =	vge.f32 v16, v24;
	v16 =	vtrunc.f32 v20  }
0x1ae: {  	s1 =	simm.s32 $0x80C0;
	v32 =	vclamp.gez.f32 v32, $3.250000000e+01;
	v20 =	vcvt.f32.s32 v16  }
0x1af: {  	s6 =	simm.s32 $0x80;
	s8 =	simm.s32 $0x1C0;
	s0 =	simm.s32 $0x80C0;
	[tilespmem:s1+$0x30] =	vst v26;
	vm6 =	vge.f32 v25, v63;
	v24 =	vtrunc.f32 v32;
	v16 =	vcvt.f32.s32 v28  }
.LBB2_12:
0x1b0: {  	v25 =	vld [tilespmem:s8+$0x30];
	s6 =	sadd.s32 $0x80, s6;
	v22 =	vcvt.f32.s32 v22;
	v24 =	vcvt.f32.s32 v24;
	v26 =	vsel vm0, $0x1, v0  }
0x1b1: {  	vm0 =	vge.f32 v15, v23;
	v15 =	vsel vm1, $0x1, v0;
	v23 =	vsel vm2, $0x1, v0;
	v27 =	vld [tilespmem:s8+$0xFFFFFFD0];
	p0 =	slt.u32 s6, $0x3F80  }
0x1b2: {  	v30 =	vsel vm3, $0x1, v0;
	v31 =	vsel vm4, $0x1, v0;
	v29 =	vsel vm0, $0x1, v0;
	v28 =	vld [tilespmem:s8+$0xFFFFFFE0]  }
0x1b3: {  	v33 =	vsel vm6, $0x1, v0;
	s1 =	sadd.s32 $0x80, s1;
	v21 =	vadd.s32 v29, v21;
	v29 =	vsel vm5, $0x1, v0;
	v32 =	vld [tilespmem:s8+$0xFFFFFFF0]  }
0x1b4: {  	v12 =	vadd.s32 v26, v12;
	v13 =	vadd.s32 v15, v13;
	v14 =	vadd.s32 v23, v14;
	v34 =	vld [tilespmem:s8+$0x0];
	[tilespmem:s1+$0x30] =	vst v21  }
0x1b5: {  	v11 =	vadd.s32 v30, v11;
	v23 =	vadd.s32 v31, v10;
	v26 =	vld [tilespmem:s8+$0x10];
	v21 =	vmul.f32 $5.166666510e+00, v25;
	[tilespmem:s0+$0xFFFFFFC0] =	vst v12;
	v15 =	vmovc v25  }
0x1b6: {  	v30 =	vadd.s32 v33, v8;
	v29 =	vadd.s32 v29, v7;
	v7 =	vmovc v22;
	v35 =	vmul.f32 $5.166666510e+00, v27;
	v25 =	vld [tilespmem:s8+$0x20];
	[tilespmem:s0+$0xFFFFFFD0] =	vst v13  }
0x1b7: {  	v8 =	vmovc v24;
	v12 =	vmovc v20;
	v13 =	vmov v19;
	v22 =	vld [tilespmem:s8+$0xFFFFFFC0];
	v31 =	vmul.f32 $5.166666510e+00, v28;
	v21 =	vadd.f32 $1.550100040e+01, v21;
	[tilespmem:s0+$0xFFFFFFE0] =	vst v14  }
0x1b8: {  	v10 =	vmovc v16;
	v14 =	vmovc v18;
	v24 =	vadd.f32 $1.550100040e+01, v35;
	v33 =	vmul.f32 $5.166666510e+00, v32;
	v20 =	vld.idx.msk [tilespmem:v20+s4+$0x0], $0xffff;
	[tilespmem:s0+$0xFFFFFFF0] =	vst v11;
	v11 =	vmov v17  }
0x1b9: {  	v31 =	vadd.f32 $1.550100040e+01, v31;
	v35 =	vmul.f32 $5.166666510e+00, v34;
	v21 =	vclamp.gez.f32 v21, $3.250000000e+01;
	v19 =	vld.idx.msk [tilespmem:v19+s4+$0x0], $0xffff;
	[tilespmem:s0+$0x0] =	vst v23  }
0x1ba: {  	v23 =	vadd.f32 $1.550100040e+01, v33;
	v33 =	vmul.f32 $5.166666510e+00, v26;
	v21 =	vtrunc.f32 v21;
	v18 =	vld.idx.msk [tilespmem:v18+s4+$0x0], $0xffff;
	[tilespmem:s0+$0x10] =	vst v29  }
0x1bb: {  	v29 =	vadd.f32 $1.550100040e+01, v35;
	v35 =	vmul.f32 $5.166666510e+00, v25;
	v21 =	vcvt.f32.s32 v21;
	v17 =	vld.idx.msk [tilespmem:v17+s4+$0x0], $0xffff;
	[tilespmem:s0+$0x20] =	vst v30;
	s0 =	smov.u32 s1  }
0x1bc: {  	v24 =	vclamp.gez.f32 v24, $3.250000000e+01;
	v30 =	vmul.f32 $5.166666510e+00, v22;
	v33 =	vadd.f32 $1.550100040e+01, v33;
	v16 =	vld.idx.msk [tilespmem:v16+s4+$0x0], $0xffff  }
0x1bd: {  	v31 =	vclamp.gez.f32 v31, $3.250000000e+01;
	v23 =	vclamp.gez.f32 v23, $3.250000000e+01;
	v35 =	vadd.f32 $1.550100040e+01, v35;
	v36 =	vld.idx.msk [tilespmem:v7+s4+$0x0], $0xffff  }
0x1be: {  	v29 =	vclamp.gez.f32 v29, $3.250000000e+01;
	v30 =	vadd.f32 $1.550100040e+01, v30;
	v33 =	vclamp.gez.f32 v33, $3.250000000e+01;
	v37 =	vld.idx.msk [tilespmem:v8+s4+$0x0], $0xffff  }
0x1bf: {  	v38 =	vtrunc.f32 v24;
	vm0 =	vge.f32 v9, v20;
	v9 =	vmovc v22;
	v24 =	vclamp.gez.f32 v35, $3.250000000e+01  }
0x1c0: {  	vm1 =	vge.f32 v4, v19;
	v4 =	vmovc v27;
	v20 =	vclamp.gez.f32 v30, $3.250000000e+01;
	v30 =	vtrunc.f32 v31  }
.Ltmp5:
0x1c1: {  	v27 =	vtrunc.f32 v23;
	vm2 =	vge.f32 v5, v18;
	v5 =	vmovc v28;
	v19 =	vtrunc.f32 v20;
	v23 =	vld.idx.msk [tilespmem:v21+s4+$0x0], $0xffff;
	(pc) =	sbr.rel @p0 .LBB2_12-.Ltmp5, $4  }
0x1c2: {  	v28 =	vtrunc.f32 v29;
	v22 =	vtrunc.f32 v33;
	vm3 =	vge.f32 v6, v17;
	v6 =	vmovc v32  }
0x1c3: {  	v24 =	vtrunc.f32 v24;
	vm4 =	vge.f32 v3, v16;
	v3 =	vmovc v34;
	v20 =	vcvt.f32.s32 v19  }
0x1c4: {  	v18 =	vcvt.f32.s32 v30;
	v19 =	vcvt.f32.s32 v38;
	vm5 =	vge.f32 v1, v36;
	v1 =	vmovc v26  }
0x1c5: {  	s8 =	sadd.s32 $0x80, s8;
	v17 =	vcvt.f32.s32 v27;
	v16 =	vcvt.f32.s32 v28;
	vm6 =	vge.f32 v2, v37;
	v2 =	vmovc v25  }
0x1c6: {  	_ = 	snop  }
0x1c7: {  	vm7 =	vge.f32 v15, v23  }
0x1c8: {  	v15 =	vsel vm7, $0x1, v0  }
0x1c9: {  	v22 =	vcvt.f32.s32 v22;
	v23 =	vsel vm0, $0x1, v0;
	s1 =	sadd.s32 $0x80, s1;
	v15 =	vadd.s32 v15, v21  }
0x1ca: {  	v12 =	vadd.s32 v23, v12;
	v21 =	vcvt.f32.s32 v24;
	v24 =	vsel vm1, $0x1, v0;
	[tilespmem:s1+$0x30] =	vst v15;
	v15 =	vld.idx.msk [tilespmem:v20+s4+$0x0], $0xffff  }
0x1cb: {  	v23 =	vsel vm2, $0x1, v0;
	[tilespmem:s0+$0xFFFFFFC0] =	vst v12;
	v12 =	vld.idx.msk [tilespmem:v19+s4+$0x0], $0xffff;
	v13 =	vadd.s32 v24, v13  }
0x1cc: {  	v14 =	vadd.s32 v23, v14;
	v24 =	vsel vm3, $0x1, v0;
	[tilespmem:s0+$0xFFFFFFD0] =	vst v13;
	v13 =	vld.idx.msk [tilespmem:v18+s4+$0x0], $0xffff  }
0x1cd: {  	v23 =	vsel vm4, $0x1, v0;
	[tilespmem:s0+$0xFFFFFFE0] =	vst v14;
	v14 =	vld.idx.msk [tilespmem:v17+s4+$0x0], $0xffff;
	v11 =	vadd.s32 v24, v11  }
0x1ce: {  	v10 =	vadd.s32 v23, v10;
	v24 =	vsel vm5, $0x1, v0;
	[tilespmem:s0+$0xFFFFFFF0] =	vst v11;
	v11 =	vld.idx.msk [tilespmem:v16+s4+$0x0], $0xffff  }
0x1cf: {  	v23 =	vsel vm6, $0x1, v0;
	[tilespmem:s0+$0x0] =	vst v10;
	v7 =	vadd.s32 v24, v7;
	v10 =	vld.idx.msk [tilespmem:v22+s4+$0x0], $0xffff;
	vm0 =	vge.f32 v9, v15  }
0x1d0: {  	v8 =	vadd.s32 v23, v8;
	[tilespmem:s0+$0x10] =	vst v7;
	vm1 =	vge.f32 v4, v12;
	v7 =	vld.idx.msk [tilespmem:v21+s4+$0x0], $0xffff;
	v4 =	vsel vm0, $0x1, v0  }
0x1d1: {  	[tilespmem:s0+$0x20] =	vst v8;
	vm0 =	vge.f32 v5, v13;
	v5 =	vsel vm1, $0x1, v0;
	v4 =	vadd.s32 v4, v20  }
0x1d2: {  	vm1 =	vge.f32 v6, v14;
	v6 =	vsel vm0, $0x1, v0;
	v5 =	vadd.s32 v5, v19;
	[tilespmem:s1+$0xFFFFFFC0] =	vst v4  }
0x1d3: {  	vm0 =	vge.f32 v3, v11;
	v3 =	vsel vm1, $0x1, v0;
	v4 =	vadd.s32 v6, v18;
	[tilespmem:s1+$0xFFFFFFD0] =	vst v5  }
0x1d4: {  	vm1 =	vge.f32 v1, v10;
	v1 =	vsel vm0, $0x1, v0;
	v3 =	vadd.s32 v3, v17;
	[tilespmem:s1+$0xFFFFFFE0] =	vst v4  }
0x1d5: {  	v1 =	vadd.s32 v1, v16;
	[tilespmem:s1+$0xFFFFFFF0] =	vst v3;
	vm0 =	vge.f32 v2, v7;
	v2 =	vsel vm1, $0x1, v0  }
0x1d6: {  	[tilespmem:s1+$0x0] =	vst v1;
	v3 =	vsel vm0, $0x1, v0;
	v2 =	vadd.s32 v2, v22  }
0x1d7: {  	v1 =	vadd.s32 v3, v21;
	[tilespmem:s1+$0x10] =	vst v2  }
0x1d8: {  	[tilespmem:s1+$0x20] =	vst v1  }
0x1d9: {  	[hbm4b:s14+s4] =	stream.linear.scatter [tilespmem:s21], [sflag:$0x3], $0x4000, $0x38;
	[tilespmem:$0x10080] =	vst v63  }
0x1da: {  	_ =	swait.ge [sflag:s22], $0x4000  }
0x1db: {  	[sflag:s22] =	ssyncset.done $0x0  }
0x1dc: {  	[sflag:s22] =	ssyncadd.s32 $0xFFFFC000  }
0x1dd: {  	_ =	swait.ge [sflag:s25], $0x4000  }
0x1de: {  	[sflag:s25] =	ssyncset.done $0x0  }
0x1df: {  	s30 =	simm.s32 $0x40C0;
	[sflag:s25] =	ssyncadd.s32 $0xFFFFC000  }
0x1e0: {  	v2 =	vld [tilespmem:s30+$0x30]  }
0x1e1: {  	v16 =	vld [tilespmem:s30+$0xFFFFFFD0]  }
0x1e2: {  	v17 =	vld [tilespmem:s30+$0xFFFFFFE0]  }
0x1e3: {  	v18 =	vld [tilespmem:s30+$0xFFFFFFF0]  }
0x1e4: {  	v19 =	vld [tilespmem:s30+$0x0]  }
0x1e5: {  	v23 =	vld [tilespmem:s30+$0x10]  }
0x1e6: {  	s31 =	simm.s32 $0x4140;
	v20 =	vld [tilespmem:s30+$0xFFFFFFC0]  }
0x1e7: {  	v15 =	vld [tilespmem:s31+$0x30]  }
0x1e8: {  	v1 =	vmul.f32 $5.166666510e+00, v2;
	v3 =	vmul.f32 $5.166666510e+00, v16  }
0x1e9: {  	v4 =	vmul.f32 $5.166666510e+00, v17;
	v5 =	vmul.f32 $5.166666510e+00, v18  }
0x1ea: {  	v6 =	vmul.f32 $5.166666510e+00, v19;
	v7 =	vmul.f32 $5.166666510e+00, v23;
	v1 =	vadd.f32 $1.550100040e+01, v1  }
0x1eb: {  	v8 =	vmul.f32 $5.166666510e+00, v20;
	v3 =	vadd.f32 $1.550100040e+01, v3;
	v4 =	vadd.f32 $1.550100040e+01, v4  }
0x1ec: {  	v24 =	vmul.f32 $5.166666510e+00, v15;
	v7 =	vadd.f32 $1.550100040e+01, v7;
	v1 =	vclamp.gez.f32 v1, $3.250000000e+01  }
0x1ed: {  	v25 =	vld [tilespmem:s30+$0x20];
	v8 =	vadd.f32 $1.550100040e+01, v8;
	v3 =	vclamp.gez.f32 v3, $3.250000000e+01;
	v4 =	vclamp.gez.f32 v4, $3.250000000e+01  }
0x1ee: {  	v7 =	vclamp.gez.f32 v7, $3.250000000e+01;
	v1 =	vtrunc.f32 v1  }
0x1ef: {  	v8 =	vclamp.gez.f32 v8, $3.250000000e+01;
	v21 =	vcvt.f32.s32 v1  }
0x1f0: {  	v3 =	vtrunc.f32 v3;
	v9 =	vtrunc.f32 v4  }
0x1f1: {  	v8 =	vtrunc.f32 v8;
	v7 =	vtrunc.f32 v7;
	v1 =	vadd.f32 $1.550100040e+01, v5  }
0x1f2: {  	v5 =	vadd.f32 $1.550100040e+01, v6;
	v6 =	vmul.f32 $5.166666510e+00, v25;
	v12 =	vcvt.f32.s32 v8  }
0x1f3: {  	v13 =	vcvt.f32.s32 v3;
	v14 =	vcvt.f32.s32 v9;
	v3 =	vld [tilespmem:s31+$0x0]  }
0x1f4: {  	v7 =	vcvt.f32.s32 v7;
	v9 =	vld [tilespmem:s31+$0xFFFFFFC0];
	v1 =	vclamp.gez.f32 v1, $3.250000000e+01;
	v6 =	vadd.f32 $1.550100040e+01, v6  }
0x1f5: {  	v5 =	vclamp.gez.f32 v5, $3.250000000e+01;
	v1 =	vtrunc.f32 v1;
	v22 =	vld.idx.msk [tilespmem:v21+s4+$0x0], $0xffff  }
0x1f6: {  	v24 =	vadd.f32 $1.550100040e+01, v24;
	v10 =	vtrunc.f32 v5;
	v5 =	vld [tilespmem:s31+$0xFFFFFFE0];
	v6 =	vclamp.gez.f32 v6, $3.250000000e+01  }
0x1f7: {  	v11 =	vcvt.f32.s32 v1;
	v8 =	vtrunc.f32 v6;
	v6 =	vld [tilespmem:s31+$0xFFFFFFF0]  }
0x1f8: {  	v24 =	vclamp.gez.f32 v24, $3.250000000e+01;
	v1 =	vld [tilespmem:s31+$0x10];
	v28 =	vmul.f32 $5.166666510e+00, v3  }
0x1f9: {  	v4 =	vld [tilespmem:s31+$0xFFFFFFD0];
	v10 =	vcvt.f32.s32 v10;
	v34 =	vmul.f32 $5.166666510e+00, v9  }
0x1fa: {  	v8 =	vcvt.f32.s32 v8;
	v29 =	vld.idx.msk [tilespmem:v12+s4+$0x0], $0xffff;
	v28 =	vadd.f32 $1.550100040e+01, v28;
	vm0 =	vge.f32 v2, v22  }
0x1fb: {  	v33 =	vld.idx.msk [tilespmem:v14+s4+$0x0], $0xffff;
	v34 =	vadd.f32 $1.550100040e+01, v34;
	v27 =	vmul.f32 $5.166666510e+00, v5;
	v26 =	vsel vm0, $0x1, v0  }
0x1fc: {  	v37 =	vld.idx.msk [tilespmem:v7+s4+$0x0], $0xffff;
	v28 =	vclamp.gez.f32 v28, $3.250000000e+01;
	v26 =	vadd.s32 v26, v21;
	v21 =	vmul.f32 $5.166666510e+00, v6  }
0x1fd: {  	v31 =	vmul.f32 $5.166666510e+00, v1;
	v27 =	vadd.f32 $1.550100040e+01, v27;
	v35 =	vld.idx.msk [tilespmem:v11+s4+$0x0], $0xffff;
	v28 =	vtrunc.f32 v28  }
0x1fe: {  	v22 =	vmul.f32 $5.166666510e+00, v4;
	v2 =	vld [tilespmem:s31+$0x20];
	v30 =	vadd.f32 $1.550100040e+01, v21;
	v21 =	vtrunc.f32 v24  }
0x1ff: {  	v36 =	vld.idx.msk [tilespmem:v10+s4+$0x0], $0xffff;
	v31 =	vadd.f32 $1.550100040e+01, v31;
	v27 =	vclamp.gez.f32 v27, $3.250000000e+01;
	v21 =	vcvt.f32.s32 v21  }
0x200: {  	vm0 =	vge.f32 v20, v29;
	v20 =	vclamp.gez.f32 v34, $3.250000000e+01;
	v22 =	vadd.f32 $1.550100040e+01, v22  }
0x201: {  	vm2 =	vge.f32 v17, v33;
	v31 =	vclamp.gez.f32 v31, $3.250000000e+01;
	v27 =	vtrunc.f32 v27;
	v24 =	vld.idx.msk [tilespmem:v13+s4+$0x0], $0xffff  }
0x202: {  	v22 =	vclamp.gez.f32 v22, $3.250000000e+01;
	vm3 =	vge.f32 v18, v35;
	v18 =	vcvt.f32.s32 v27  }
0x203: {  	vm5 =	vge.f32 v23, v37;
	v63 =	vld.idx.msk [tilespmem:v8+s4+$0x0], $0xffff;
	v32 =	vmul.f32 $5.166666510e+00, v2;
	v38 =	vtrunc.f32 v22  }
0x204: {  	vm4 =	vge.f32 v19, v36;
	v22 =	vtrunc.f32 v31;
	v30 =	vclamp.gez.f32 v30, $3.250000000e+01  }
0x205: {  	v19 =	vcvt.f32.s32 v38;
	v32 =	vadd.f32 $1.550100040e+01, v32;
	v30 =	vtrunc.f32 v30;
	v23 =	vld.idx.msk [tilespmem:v21+s4+$0x0], $0xffff  }
0x206: {  	v17 =	vcvt.f32.s32 v30;
	vm1 =	vge.f32 v16, v24;
	v16 =	vtrunc.f32 v20  }
0x207: {  	s1 =	simm.s32 $0xC0C0;
	v32 =	vclamp.gez.f32 v32, $3.250000000e+01;
	v20 =	vcvt.f32.s32 v16  }
0x208: {  	s6 =	simm.s32 $0x80;
	s8 =	simm.s32 $0x41C0;
	s0 =	simm.s32 $0xC0C0;
	[tilespmem:s1+$0x30] =	vst v26;
	vm6 =	vge.f32 v25, v63;
	v24 =	vtrunc.f32 v32;
	v16 =	vcvt.f32.s32 v28  }
.LBB2_14:
0x209: {  	v25 =	vld [tilespmem:s8+$0x30];
	s6 =	sadd.s32 $0x80, s6;
	v22 =	vcvt.f32.s32 v22;
	v24 =	vcvt.f32.s32 v24;
	v26 =	vsel vm0, $0x1, v0  }
0x20a: {  	vm0 =	vge.f32 v15, v23;
	v15 =	vsel vm1, $0x1, v0;
	v23 =	vsel vm2, $0x1, v0;
	v27 =	vld [tilespmem:s8+$0xFFFFFFD0];
	p0 =	slt.u32 s6, $0x3F80  }
0x20b: {  	v30 =	vsel vm3, $0x1, v0;
	v31 =	vsel vm4, $0x1, v0;
	v29 =	vsel vm0, $0x1, v0;
	v28 =	vld [tilespmem:s8+$0xFFFFFFE0]  }
0x20c: {  	v33 =	vsel vm6, $0x1, v0;
	s1 =	sadd.s32 $0x80, s1;
	v21 =	vadd.s32 v29, v21;
	v29 =	vsel vm5, $0x1, v0;
	v32 =	vld [tilespmem:s8+$0xFFFFFFF0]  }
0x20d: {  	v12 =	vadd.s32 v26, v12;
	v13 =	vadd.s32 v15, v13;
	v14 =	vadd.s32 v23, v14;
	v34 =	vld [tilespmem:s8+$0x0];
	[tilespmem:s1+$0x30] =	vst v21  }
0x20e: {  	v11 =	vadd.s32 v30, v11;
	v23 =	vadd.s32 v31, v10;
	v26 =	vld [tilespmem:s8+$0x10];
	v21 =	vmul.f32 $5.166666510e+00, v25;
	[tilespmem:s0+$0xFFFFFFC0] =	vst v12;
	v15 =	vmovc v25  }
0x20f: {  	v30 =	vadd.s32 v33, v8;
	v29 =	vadd.s32 v29, v7;
	v7 =	vmovc v22;
	v35 =	vmul.f32 $5.166666510e+00, v27;
	v25 =	vld [tilespmem:s8+$0x20];
	[tilespmem:s0+$0xFFFFFFD0] =	vst v13  }
0x210: {  	v8 =	vmovc v24;
	v12 =	vmovc v20;
	v13 =	vmov v19;
	v22 =	vld [tilespmem:s8+$0xFFFFFFC0];
	v31 =	vmul.f32 $5.166666510e+00, v28;
	v21 =	vadd.f32 $1.550100040e+01, v21;
	[tilespmem:s0+$0xFFFFFFE0] =	vst v14  }
0x211: {  	v10 =	vmovc v16;
	v14 =	vmovc v18;
	v24 =	vadd.f32 $1.550100040e+01, v35;
	v33 =	vmul.f32 $5.166666510e+00, v32;
	v20 =	vld.idx.msk [tilespmem:v20+s4+$0x0], $0xffff;
	[tilespmem:s0+$0xFFFFFFF0] =	vst v11;
	v11 =	vmov v17  }
0x212: {  	v31 =	vadd.f32 $1.550100040e+01, v31;
	v35 =	vmul.f32 $5.166666510e+00, v34;
	v21 =	vclamp.gez.f32 v21, $3.250000000e+01;
	v19 =	vld.idx.msk [tilespmem:v19+s4+$0x0], $0xffff;
	[tilespmem:s0+$0x0] =	vst v23  }
0x213: {  	v23 =	vadd.f32 $1.550100040e+01, v33;
	v33 =	vmul.f32 $5.166666510e+00, v26;
	v21 =	vtrunc.f32 v21;
	v18 =	vld.idx.msk [tilespmem:v18+s4+$0x0], $0xffff;
	[tilespmem:s0+$0x10] =	vst v29  }
0x214: {  	v29 =	vadd.f32 $1.550100040e+01, v35;
	v35 =	vmul.f32 $5.166666510e+00, v25;
	v21 =	vcvt.f32.s32 v21;
	v17 =	vld.idx.msk [tilespmem:v17+s4+$0x0], $0xffff;
	[tilespmem:s0+$0x20] =	vst v30;
	s0 =	smov.u32 s1  }
0x215: {  	v24 =	vclamp.gez.f32 v24, $3.250000000e+01;
	v30 =	vmul.f32 $5.166666510e+00, v22;
	v33 =	vadd.f32 $1.550100040e+01, v33;
	v16 =	vld.idx.msk [tilespmem:v16+s4+$0x0], $0xffff  }
0x216: {  	v31 =	vclamp.gez.f32 v31, $3.250000000e+01;
	v23 =	vclamp.gez.f32 v23, $3.250000000e+01;
	v35 =	vadd.f32 $1.550100040e+01, v35;
	v36 =	vld.idx.msk [tilespmem:v7+s4+$0x0], $0xffff  }
0x217: {  	v29 =	vclamp.gez.f32 v29, $3.250000000e+01;
	v30 =	vadd.f32 $1.550100040e+01, v30;
	v33 =	vclamp.gez.f32 v33, $3.250000000e+01;
	v37 =	vld.idx.msk [tilespmem:v8+s4+$0x0], $0xffff  }
0x218: {  	v38 =	vtrunc.f32 v24;
	vm0 =	vge.f32 v9, v20;
	v9 =	vmovc v22;
	v24 =	vclamp.gez.f32 v35, $3.250000000e+01  }
0x219: {  	vm1 =	vge.f32 v4, v19;
	v4 =	vmovc v27;
	v20 =	vclamp.gez.f32 v30, $3.250000000e+01;
	v30 =	vtrunc.f32 v31  }
.Ltmp6:
0x21a: {  	v27 =	vtrunc.f32 v23;
	vm2 =	vge.f32 v5, v18;
	v5 =	vmovc v28;
	v19 =	vtrunc.f32 v20;
	v23 =	vld.idx.msk [tilespmem:v21+s4+$0x0], $0xffff;
	(pc) =	sbr.rel @p0 .LBB2_14-.Ltmp6, $4  }
0x21b: {  	v28 =	vtrunc.f32 v29;
	v22 =	vtrunc.f32 v33;
	vm3 =	vge.f32 v6, v17;
	v6 =	vmovc v32  }
0x21c: {  	v24 =	vtrunc.f32 v24;
	vm4 =	vge.f32 v3, v16;
	v3 =	vmovc v34;
	v20 =	vcvt.f32.s32 v19  }
0x21d: {  	v18 =	vcvt.f32.s32 v30;
	v19 =	vcvt.f32.s32 v38;
	vm5 =	vge.f32 v1, v36;
	v1 =	vmovc v26  }
0x21e: {  	s8 =	sadd.s32 $0x80, s8;
	v17 =	vcvt.f32.s32 v27;
	v16 =	vcvt.f32.s32 v28;
	vm6 =	vge.f32 v2, v37;
	v2 =	vmovc v25  }
0x21f: {  	_ =	sdelay $0x1  }
0x220: {  	v45 =	vsel vm0, $0x1, v0  }
0x221: {  	v22 =	vcvt.f32.s32 v22;
	v47 =	vsel vm1, $0x1, v0;
	v12 =	vadd.s32 v45, v12  }
0x222: {  	v46 =	vcvt.f32.s32 v24;
	v48 =	vld.idx.msk [tilespmem:v20+s4+$0x0], $0xffff;
	v49 =	vsel vm2, $0x1, v0;
	v13 =	vadd.s32 v47, v13;
	[tilespmem:s0+$0xFFFFFFC0] =	vst v12  }
0x223: {  	v50 =	vld.idx.msk [tilespmem:v19+s4+$0x0], $0xffff;
	v51 =	vsel vm3, $0x1, v0;
	v14 =	vadd.s32 v49, v14;
	[tilespmem:s0+$0xFFFFFFD0] =	vst v13  }
0x224: {  	v52 =	vld.idx.msk [tilespmem:v18+s4+$0x0], $0xffff;
	v53 =	vsel vm4, $0x1, v0;
	v11 =	vadd.s32 v51, v11;
	[tilespmem:s0+$0xFFFFFFE0] =	vst v14  }
0x225: {  	v55 =	vsel vm5, $0x1, v0;
	v54 =	vld.idx.msk [tilespmem:v17+s4+$0x0], $0xffff;
	v10 =	vadd.s32 v53, v10;
	[tilespmem:s0+$0xFFFFFFF0] =	vst v11  }
0x226: {  	vm7 =	vge.f32 v15, v23;
	v57 =	vsel vm6, $0x1, v0;
	v56 =	vld.idx.msk [tilespmem:v16+s4+$0x0], $0xffff;
	v7 =	vadd.s32 v55, v7;
	[tilespmem:s0+$0x0] =	vst v10  }
0x227: {  	v15 =	vsel vm7, $0x1, v0;
	v8 =	vadd.s32 v57, v8;
	[tilespmem:s0+$0x10] =	vst v7;
	vm9 =	vge.f32 v9, v48;
	v58 =	vld.idx.msk [tilespmem:v22+s4+$0x0], $0xffff  }
0x228: {  	s1 =	sadd.s32 $0x80, s1;
	v15 =	vadd.s32 v15, v21;
	[tilespmem:s0+$0x20] =	vst v8;
	vm10 =	vge.f32 v4, v50;
	v59 =	vld.idx.msk [tilespmem:v46+s4+$0x0], $0xffff;
	v60 =	vsel vm9, $0x1, v0  }
0x229: {  	[tilespmem:s1+$0x30] =	vst v15;
	vm11 =	vge.f32 v5, v52;
	v61 =	vsel vm10, $0x1, v0;
	v4 =	vadd.s32 v60, v20  }
0x22a: {  	vm12 =	vge.f32 v6, v54;
	v62 =	vsel vm11, $0x1, v0;
	v5 =	vadd.s32 v61, v19;
	[tilespmem:s1+$0xFFFFFFC0] =	vst v4  }
0x22b: {  	vm13 =	vge.f32 v3, v56;
	v3 =	vsel vm12, $0x1, v0;
	v63 =	vadd.s32 v62, v18;
	[tilespmem:s1+$0xFFFFFFD0] =	vst v5  }
0x22c: {  	v3 =	vadd.s32 v3, v17;
	[tilespmem:s1+$0xFFFFFFE0] =	vst v63;
	vm14 =	vge.f32 v1, v58;
	v1 =	vsel vm13, $0x1, v0  }
0x22d: {  	[tilespmem:s1+$0xFFFFFFF0] =	vst v3;
	vm15 =	vge.f32 v2, v59;
	v2 =	vsel vm14, $0x1, v0;
	v1 =	vadd.s32 v1, v16  }
0x22e: {  	v3 =	vsel vm15, $0x1, v0;
	v2 =	vadd.s32 v2, v22;
	[tilespmem:s1+$0x0] =	vst v1  }
0x22f: {  	v1 =	vadd.s32 v3, v46;
	[tilespmem:s1+$0x10] =	vst v2  }
0x230: {  	s26 =	sadd.s32 $0x1, s26;
	[tilespmem:s1+$0x20] =	vst v1  }
0x231: {  	[hbm4b:s15+s4] =	stream.linear.scatter [tilespmem:s23], [sflag:$0x4], $0x4000, $0x38;
	[tilespmem:$0x10080] =	vst v63  }
0x232: {  	p0 =	sne.s32 s26, s16;
	_ =	swait.ge [sflag:s24], $0x4000  }
.Ltmp7:
0x233: {  	[sflag:s24] =	ssyncset.done $0x0;
	(pc) =	sbr.rel @p0 .LBB2_1-.Ltmp7, $4  }
0x234: {  	[sflag:s24] =	ssyncadd.s32 $0xFFFFC000  }
0x235: {  	_ =	swait.ge [sflag:s25], $0x4000  }
0x236: {  	[sflag:s25] =	ssyncset.done $0x0  }
0x237: {  	[sflag:s25] =	ssyncadd.s32 $0xFFFFC000  }
0x238: {  	_ =	sfence.sel $0x180000  }
0x239: {  	[bflag:$0x0] =	sbarrier.arrive $0xFFFF  }
0x23a: {  	_ =	strace $0x90000047  }
0x23b: {  	s0 =	stileid.u32;
	[bflag:$0x2] =	sbarrier.arrive $0xFFFF  }
0x23c: {  	p0 =	sne.s32 s0, $0x0;
	s0 =	rddreg [dreg:$0x3]  }
0x23d: {  	s0 =	sadd.s32 @!p0 $0x100000, s0  }
0x23e: {  	[sflag:s0] =	ssyncadd.tile.s32 @!p0 $0x1;
	_ =	shalt  }
.Lfunc_end2:
_tile_overlayer_lowered:
.L_overlay_start_2:
0x23f: {  	(tag) =	ssettag $0x2  }
0x240: {  	s0 =	rddreg [dreg:$0x0];
	s2 =	stileid.u32  }
0x241: {  	s1 =	rddreg [dreg:$0x1];
	p0 =	sne.s32 s2, $0x0  }
0x242: {  	s3 =	rddreg [dreg:$0x2];
	[bflag:$0x3] =	sbarrier.arrive $0xFFFF;
	s2 =	simm.s32 @!p0 $0x1C06  }
0x243: {  	[timem:s3], [sflag:s2] =	dma.local @!p0 [hbm:s0], s1  }
0x244: {  	s0 =	simm.s32 @!p0 $0x6  }
0x245: {  	_ =	swait.ge @!p0 [sflag:s0], s1  }
0x246: {  	s1 =	ssub.s32 @!p0 $0x0, s1;
	[sflag:s0] =	ssyncset.done @!p0 $0x0  }
0x247: {  	[sflag:s0] =	ssyncadd.s32 @!p0 s1  }
0x248: {  	[bflag:$0x3] =	sbarrier.arrive $0xFFFF  }
0x249: {  	_ =	shalt  }

</sc_bundles>
